<compile_context>
chip_gen: v7x
topology: tpu7x:2x2x1
jax: 0.10.2.dev20260603
libtpu: 0.0.44.dev20260713+nightly
codegen_flags: <defaults>
</compile_context>

<pallas_src>
import functools

import jax
import jax.numpy as jnp
from jax import lax
from jax.experimental import pallas as pl
from jax.experimental.pallas import tpu as pltpu
from jax.experimental.pallas import tpu_sc as plsc

_IN = 1024
_OUT = 1023
_B = 8192
_T = 3.0
_L = 16
_NC = 2
_NS = 16
_NW = _NC * _NS
_S = 2048
_RPW = _S // _NW
_BLK = 16
_NBLK = _RPW // _BLK
_MMBLK = 1024


def _route_body(el_ref, route_ref, w_ref, den_ref, scale_ref):
    el = el_ref[...]
    soft = jax.nn.softmax(el / _T, axis=1)
    m = jnp.max(soft, axis=1, keepdims=True)
    iota = lax.broadcasted_iota(jnp.int32, (_IN, _OUT), 1)
    route = jnp.min(jnp.where(soft == m, iota, _OUT), axis=1, keepdims=True)
    route_ref[...] = route.reshape(1, _IN)
    w = (route == iota).astype(jnp.float32)
    w_ref[...] = w
    den = jnp.sum(w, axis=0, keepdims=True)
    den_ref[...] = den
    inv = (1.0 / (den + 1e-12)).reshape(1, _OUT)
    scale_ref[...] = jnp.dot(
        w, inv.reshape(_OUT, 1), preferred_element_type=jnp.float32
    ).reshape(1, _IN)


def _mm_body(prev_ref, x_ref, w_ref, den_ref, o_ref):
    del prev_ref
    num = jnp.dot(x_ref[...], w_ref[...], preferred_element_type=jnp.float32)
    den = den_ref[...]
    o_ref[...] = jnp.clip(num / (den + 1e-12), -10000.0, 10000.0)


def _sc_body(x_hbm, route_hbm, scale_hbm, out_hbm, route_buf, scale_buf,
             xb0, xb1, ac0, ac1, si0, si1, so0, so1):
    s = lax.axis_index("s")
    c_ax = lax.axis_index("c")
    wid = s * _NC + c_ax
    zeros = jnp.zeros((_L,), jnp.float32)

    pltpu.sync_copy(route_hbm, route_buf)
    pltpu.sync_copy(scale_hbm, scale_buf)

    xbufs = (xb0, xb1)
    accs = (ac0, ac1)
    sins = (si0, si1)
    souts = (so0, so1)
    row0 = wid * _RPW

    rsplat = [jnp.full((_L,), r, jnp.int32) for r in range(_BLK)]
    lane = lax.iota(jnp.int32, _L)
    tail_idx = lane + (_OUT - _L)

    def _zero_ac(ac_ref):
        def _zero(c, _):
            for r in range(_BLK):
                ac_ref[r, pl.ds(c * _L, _L)] = zeros
            return 0

        lax.fori_loop(0, (_OUT - _L) // _L + 1, _zero, 0)
        for r in range(_BLK):
            plsc.store_scatter(ac_ref, [rsplat[r], tail_idx], zeros)

    _zero_ac(ac0)
    _zero_ac(ac1)

    h_in = [None, None]
    h_out = [None, None]
    h_in[0] = pltpu.async_copy(x_hbm.at[pl.ds(row0, _BLK), :], xb0, si0)
    h_in[1] = pltpu.async_copy(x_hbm.at[pl.ds(row0 + _BLK, _BLK), :], xb1, si1)

    for b in range(_NBLK):
        cur = b % 2
        xb = xbufs[cur]
        ac = accs[cur]
        h_in[cur].wait()
        if h_out[cur] is not None:
            h_out[cur].wait()
            _zero_ac(ac)

        def _scat(c, _, _xb=xb, _ac=ac):
            co = c * _L
            iv = route_buf[pl.ds(co, _L)]
            sv = scale_buf[pl.ds(co, _L)]
            xvs = [_xb[r, pl.ds(co, _L)] * sv for r in range(_BLK)]
            for r in range(_BLK):
                plsc.addupdate_scatter(_ac, [rsplat[r], iv], xvs[r])
            return 0

        lax.fori_loop(0, _IN // _L, _scat, 0)

        h_out[cur] = pltpu.async_copy(
            ac, out_hbm.at[pl.ds(row0 + b * _BLK, _BLK), :], souts[cur])
        if b + 2 < _NBLK:
            h_in[cur] = pltpu.async_copy(
                x_hbm.at[pl.ds(row0 + (b + 2) * _BLK, _BLK), :], xb, sins[cur])

    h_out[0].wait()
    h_out[1].wait()


@jax.jit
def kernel(x, edge_logits):
    route, w, den, scale = pl.pallas_call(
        _route_body,
        out_shape=(
            jax.ShapeDtypeStruct((1, _IN), jnp.int32),
            jax.ShapeDtypeStruct((_IN, _OUT), jnp.float32),
            jax.ShapeDtypeStruct((1, _OUT), jnp.float32),
            jax.ShapeDtypeStruct((1, _IN), jnp.float32),
        ),
    )(edge_logits)

    mesh = plsc.VectorSubcoreMesh(core_axis_name="c", subcore_axis_name="s")
    run = functools.partial(
        pl.kernel,
        mesh=mesh,
        compiler_params=pltpu.CompilerParams(
            needs_layout_passes=False,
            disable_bounds_checks=True,
            disable_semaphore_checks=True,
        ),
        out_type=jax.ShapeDtypeStruct((_B, _OUT), jnp.float32),
        scratch_types=[
            pltpu.VMEM((_IN,), jnp.int32),
            pltpu.VMEM((_IN,), jnp.float32),
            pltpu.VMEM((_BLK, _IN), jnp.float32),
            pltpu.VMEM((_BLK, _IN), jnp.float32),
            pltpu.VMEM((_BLK, _OUT), jnp.float32),
            pltpu.VMEM((_BLK, _OUT), jnp.float32),
            pltpu.SemaphoreType.DMA,
            pltpu.SemaphoreType.DMA,
            pltpu.SemaphoreType.DMA,
            pltpu.SemaphoreType.DMA,
        ],
    )(_sc_body)
    sc_out = run(x, route.reshape(-1), scale.reshape(-1))

    out = pl.pallas_call(
        _mm_body,
        grid=((_B - _S) // _MMBLK,),
        in_specs=[
            pl.BlockSpec(memory_space=pl.ANY),
            pl.BlockSpec((_MMBLK, _IN), lambda i: (_S // _MMBLK + i, 0)),
            pl.BlockSpec((_IN, _OUT), lambda i: (0, 0)),
            pl.BlockSpec((1, _OUT), lambda i: (0, 0)),
        ],
        out_specs=pl.BlockSpec(
            (_MMBLK, _OUT), lambda i: (_S // _MMBLK + i, 0)),
        out_shape=jax.ShapeDtypeStruct((_B, _OUT), jnp.float32),
        input_output_aliases={0: 0},
    )(sc_out, x, w, den)
    return out

# --- scband reference (transcript-rebuilt; emitter-appended) ---
"""Pipeline reference for scband-first-aggregation-layer-59304908423775 (READ-ONLY COPY).

The authoritative reference and input builder live on the scoring server;
editing this copy changes nothing except your own understanding.
"""

import jax, jax.numpy as jnp
import numpy as np

IN_WIDTH = 1024
OUT_WIDTH = 1023
BATCH = 8192
TEMPERATURE = 3.0

# The torch forward takes an external `aggregator` object; with andness=0.5 the
# standard GCD/WPM aggregator reduces to the weighted arithmetic mean:
#   aggregate(inputs, 0.5, weights) = sum_i w_i * x_i / sum_i w_i
# We implement that faithfully here. Eval mode (training=False) so no Gumbel noise,
# but the straight-through hard routing path (max_egress=1, use_straight_through=True)
# is kept exactly as in get_edge_weights().

def setup_inputs(seed: int = 0) -> dict:
    key = jax.random.key(seed)
    k1, k2 = jax.random.split(key)
    x = jax.random.normal(k1, (BATCH, IN_WIDTH), dtype=jnp.float32)
    # edge_logits is an nn.Parameter (init zeros in torch); use small random values
    # to emulate a partially-trained router so argmax routing is non-degenerate.
    edge_logits = jax.random.normal(k2, (IN_WIDTH, OUT_WIDTH), dtype=jnp.float32) * 0.02
    return {"x": x, "edge_logits": edge_logits}

def _get_edge_weights(edge_logits):
    soft = jax.nn.softmax(edge_logits / TEMPERATURE, axis=1)
    hard_idx = jnp.argmax(soft, axis=1)
    hard = jax.nn.one_hot(hard_idx, OUT_WIDTH, dtype=soft.dtype)
    # straight-through estimator: hard - detach(soft) + soft
    return hard - jax.lax.stop_gradient(soft) + soft

def reference(x, edge_logits):
    w = _get_edge_weights(edge_logits)  # [in_width, out_width]
    # per-output-node weighted arithmetic mean over all in_width inputs
    # (vectorized form of the python loop over out_width columns)
    num = x @ w                          # [batch, out_width]
    den = jnp.sum(w, axis=0)             # [out_width]
    node_output = num / (den + 1e-12)
    return jnp.clip(node_output, -10000.0, 10000.0)

if __name__ == "__main__":
    import jax
    _d = setup_inputs()
    print(jax.jit(kernel)(*tuple(_d.values())))

</pallas_src>

<mosaic_0001>
#map = affine_map<(d0, d1) -> (0, 0)>
#map1 = affine_map<(d0, d1) -> (0)>
module attributes {stable_mosaic.version = 14 : i64} {
  func.func @_sc_body(%arg0: i32, %arg1: i32, %arg2: memref<8192x1024xf32, #tpu.memory_space<hbm>>, %arg3: memref<1024xi32, #tpu.memory_space<hbm>>, %arg4: memref<1024xf32, #tpu.memory_space<hbm>>, %arg5: memref<8192x1023xf32, #tpu.memory_space<hbm>>, %arg6: memref<1024xi32, #tpu.memory_space<vmem>>, %arg7: memref<1024xf32, #tpu.memory_space<vmem>>, %arg8: memref<16x1024xf32, #tpu.memory_space<vmem>>, %arg9: memref<16x1024xf32, #tpu.memory_space<vmem>>, %arg10: memref<16x1023xf32, #tpu.memory_space<vmem>>, %arg11: memref<16x1023xf32, #tpu.memory_space<vmem>>, %arg12: memref<!tpu.dma_semaphore, #tpu.memory_space<semaphore_mem>>, %arg13: memref<!tpu.dma_semaphore, #tpu.memory_space<semaphore_mem>>, %arg14: memref<!tpu.dma_semaphore, #tpu.memory_space<semaphore_mem>>, %arg15: memref<!tpu.dma_semaphore, #tpu.memory_space<semaphore_mem>>) attributes {dimension_semantics = [#tpu.dimension_semantics<core_parallel>, #tpu.dimension_semantics<subcore_parallel>], iteration_bounds = array<i64: 2, 16>, scalar_prefetch = 0 : i64, scratch_operands = 10 : i64, tpu.core_type = #tpu.core_type<sc_vector_subcore>, window_params = [{transform_indices = #map}, {transform_indices = #map1}, {transform_indices = #map1}, {transform_indices = #map}]} {
    %mul3A = arith.constant 2 : i32
    %mul3A_0 = arith.muli %arg1, %mul3A : i32
    %add3A = arith.addi %mul3A_0, %arg0 : i32
    %broadcast_in_dim3A = arith.constant 0.000000e+00 : f32
    %broadcast_in_dim3A_1 = vector.broadcast %broadcast_in_dim3A : f32 to vector<16xf32>
    "tpu.region"() ({
      %run_scoped3A = tpu.sem_alloc : memref<!tpu.dma_semaphore, #tpu.memory_space<semaphore_mem>>
      tpu.enqueue_dma source(%arg3 : memref<1024xi32, #tpu.memory_space<hbm>>) target(%arg6 : memref<1024xi32, #tpu.memory_space<vmem>>) target_semaphore(%run_scoped3A : memref<!tpu.dma_semaphore, #tpu.memory_space<semaphore_mem>>)
      tpu.wait_dma2 semaphore(%run_scoped3A : memref<!tpu.dma_semaphore, #tpu.memory_space<semaphore_mem>>) src(%arg3 : memref<1024xi32, #tpu.memory_space<hbm>>) dst(%arg6 : memref<1024xi32, #tpu.memory_space<vmem>>)
      tpu.yield
    }) : () -> ()
    "tpu.region"() ({
      %run_scoped3A = tpu.sem_alloc : memref<!tpu.dma_semaphore, #tpu.memory_space<semaphore_mem>>
      tpu.enqueue_dma source(%arg4 : memref<1024xf32, #tpu.memory_space<hbm>>) target(%arg7 : memref<1024xf32, #tpu.memory_space<vmem>>) target_semaphore(%run_scoped3A : memref<!tpu.dma_semaphore, #tpu.memory_space<semaphore_mem>>)
      tpu.wait_dma2 semaphore(%run_scoped3A : memref<!tpu.dma_semaphore, #tpu.memory_space<semaphore_mem>>) src(%arg4 : memref<1024xf32, #tpu.memory_space<hbm>>) dst(%arg7 : memref<1024xf32, #tpu.memory_space<vmem>>)
      tpu.yield
    }) : () -> ()
    %mul3A_2 = arith.constant 64 : i32
    %mul3A_3 = arith.muli %add3A, %mul3A_2 : i32
    %broadcast_in_dim3A_4 = arith.constant 0 : i32
    %broadcast_in_dim3A_5 = vector.broadcast %broadcast_in_dim3A_4 : i32 to vector<16xi32>
    %broadcast_in_dim3A_6 = arith.constant 1 : i32
    %broadcast_in_dim3A_7 = vector.broadcast %broadcast_in_dim3A_6 : i32 to vector<16xi32>
    %broadcast_in_dim3A_8 = arith.constant 2 : i32
    %broadcast_in_dim3A_9 = vector.broadcast %broadcast_in_dim3A_8 : i32 to vector<16xi32>
    %broadcast_in_dim3A_10 = arith.constant 3 : i32
    %broadcast_in_dim3A_11 = vector.broadcast %broadcast_in_dim3A_10 : i32 to vector<16xi32>
    %broadcast_in_dim3A_12 = arith.constant 4 : i32
    %broadcast_in_dim3A_13 = vector.broadcast %broadcast_in_dim3A_12 : i32 to vector<16xi32>
    %broadcast_in_dim3A_14 = arith.constant 5 : i32
    %broadcast_in_dim3A_15 = vector.broadcast %broadcast_in_dim3A_14 : i32 to vector<16xi32>
    %broadcast_in_dim3A_16 = arith.constant 6 : i32
    %broadcast_in_dim3A_17 = vector.broadcast %broadcast_in_dim3A_16 : i32 to vector<16xi32>
    %broadcast_in_dim3A_18 = arith.constant 7 : i32
    %broadcast_in_dim3A_19 = vector.broadcast %broadcast_in_dim3A_18 : i32 to vector<16xi32>
    %broadcast_in_dim3A_20 = arith.constant 8 : i32
    %broadcast_in_dim3A_21 = vector.broadcast %broadcast_in_dim3A_20 : i32 to vector<16xi32>
    %broadcast_in_dim3A_22 = arith.constant 9 : i32
    %broadcast_in_dim3A_23 = vector.broadcast %broadcast_in_dim3A_22 : i32 to vector<16xi32>
    %broadcast_in_dim3A_24 = arith.constant 10 : i32
    %broadcast_in_dim3A_25 = vector.broadcast %broadcast_in_dim3A_24 : i32 to vector<16xi32>
    %broadcast_in_dim3A_26 = arith.constant 11 : i32
    %broadcast_in_dim3A_27 = vector.broadcast %broadcast_in_dim3A_26 : i32 to vector<16xi32>
    %broadcast_in_dim3A_28 = arith.constant 12 : i32
    %broadcast_in_dim3A_29 = vector.broadcast %broadcast_in_dim3A_28 : i32 to vector<16xi32>
    %broadcast_in_dim3A_30 = arith.constant 13 : i32
    %broadcast_in_dim3A_31 = vector.broadcast %broadcast_in_dim3A_30 : i32 to vector<16xi32>
    %broadcast_in_dim3A_32 = arith.constant 14 : i32
    %broadcast_in_dim3A_33 = vector.broadcast %broadcast_in_dim3A_32 : i32 to vector<16xi32>
    %broadcast_in_dim3A_34 = arith.constant 15 : i32
    %broadcast_in_dim3A_35 = vector.broadcast %broadcast_in_dim3A_34 : i32 to vector<16xi32>
    %iota3A = tpu.iota {dimensions = array<i32: 0>} : vector<16xi32>
    %add3A_36 = arith.constant 1007 : i32
    %add3A_37 = vector.broadcast %add3A_36 : i32 to vector<16xi32>
    %add3A_38 = arith.addi %iota3A, %add3A_37 : vector<16xi32>
    %scan3A = arith.constant 0 : i32
    %scan3A_39 = arith.constant 0 : i32
    %scan3A_40 = arith.constant 63 : i32
    %scan3A_41 = arith.addi %scan3A_39, %scan3A_40 : i32
    %scan3A_42 = arith.constant 1 : i32
    %scan3A_43 = scf.for %scan3A_170 = %scan3A_39 to %scan3A_41 step %scan3A_42 iter_args(%scan3A_171 = %scan3A) -> (i32)  : i32 {
      %mul3A_172 = arith.constant 16 : i32
      %mul3A_173 = arith.muli %scan3A_170, %mul3A_172 : i32
      %swap3A = arith.constant 0 : i32
      %swap3A_174 = arith.index_cast %swap3A : i32 to index
      %swap3A_175 = arith.index_cast %mul3A_173 : i32 to index
      %swap3A_176 = tpu.vector_load %arg10[%swap3A_174, %swap3A_175] {strides = array<i32>} : memref<16x1023xf32, #tpu.memory_space<vmem>>, vector<16xf32>,
      tpu.vector_store %arg10[%swap3A_174, %swap3A_175], %broadcast_in_dim3A_1 {strides = array<i32>} : memref<16x1023xf32, #tpu.memory_space<vmem>>, vector<16xf32>,
      %mul3A_177 = arith.constant 16 : i32
      %mul3A_178 = arith.muli %scan3A_170, %mul3A_177 : i32
      %swap3A_179 = arith.constant 1 : i32
      %swap3A_180 = arith.index_cast %swap3A_179 : i32 to index
      %swap3A_181 = arith.index_cast %mul3A_178 : i32 to index
      %swap3A_182 = tpu.vector_load %arg10[%swap3A_180, %swap3A_181] {strides = array<i32>} : memref<16x1023xf32, #tpu.memory_space<vmem>>, vector<16xf32>,
      tpu.vector_store %arg10[%swap3A_180, %swap3A_181], %broadcast_in_dim3A_1 {strides = array<i32>} : memref<16x1023xf32, #tpu.memory_space<vmem>>, vector<16xf32>,
      %mul3A_183 = arith.constant 16 : i32
      %mul3A_184 = arith.muli %scan3A_170, %mul3A_183 : i32
      %swap3A_185 = arith.constant 2 : i32
      %swap3A_186 = arith.index_cast %swap3A_185 : i32 to index
      %swap3A_187 = arith.index_cast %mul3A_184 : i32 to index
      %swap3A_188 = tpu.vector_load %arg10[%swap3A_186, %swap3A_187] {strides = array<i32>} : memref<16x1023xf32, #tpu.memory_space<vmem>>, vector<16xf32>,
      tpu.vector_store %arg10[%swap3A_186, %swap3A_187], %broadcast_in_dim3A_1 {strides = array<i32>} : memref<16x1023xf32, #tpu.memory_space<vmem>>, vector<16xf32>,
      %mul3A_189 = arith.constant 16 : i32
      %mul3A_190 = arith.muli %scan3A_170, %mul3A_189 : i32
      %swap3A_191 = arith.constant 3 : i32
      %swap3A_192 = arith.index_cast %swap3A_191 : i32 to index
      %swap3A_193 = arith.index_cast %mul3A_190 : i32 to index
      %swap3A_194 = tpu.vector_load %arg10[%swap3A_192, %swap3A_193] {strides = array<i32>} : memref<16x1023xf32, #tpu.memory_space<vmem>>, vector<16xf32>,
      tpu.vector_store %arg10[%swap3A_192, %swap3A_193], %broadcast_in_dim3A_1 {strides = array<i32>} : memref<16x1023xf32, #tpu.memory_space<vmem>>, vector<16xf32>,
      %mul3A_195 = arith.constant 16 : i32
      %mul3A_196 = arith.muli %scan3A_170, %mul3A_195 : i32
      %swap3A_197 = arith.constant 4 : i32
      %swap3A_198 = arith.index_cast %swap3A_197 : i32 to index
      %swap3A_199 = arith.index_cast %mul3A_196 : i32 to index
      %swap3A_200 = tpu.vector_load %arg10[%swap3A_198, %swap3A_199] {strides = array<i32>} : memref<16x1023xf32, #tpu.memory_space<vmem>>, vector<16xf32>,
      tpu.vector_store %arg10[%swap3A_198, %swap3A_199], %broadcast_in_dim3A_1 {strides = array<i32>} : memref<16x1023xf32, #tpu.memory_space<vmem>>, vector<16xf32>,
      %mul3A_201 = arith.constant 16 : i32
      %mul3A_202 = arith.muli %scan3A_170, %mul3A_201 : i32
      %swap3A_203 = arith.constant 5 : i32
      %swap3A_204 = arith.index_cast %swap3A_203 : i32 to index
      %swap3A_205 = arith.index_cast %mul3A_202 : i32 to index
      %swap3A_206 = tpu.vector_load %arg10[%swap3A_204, %swap3A_205] {strides = array<i32>} : memref<16x1023xf32, #tpu.memory_space<vmem>>, vector<16xf32>,
      tpu.vector_store %arg10[%swap3A_204, %swap3A_205], %broadcast_in_dim3A_1 {strides = array<i32>} : memref<16x1023xf32, #tpu.memory_space<vmem>>, vector<16xf32>,
      %mul3A_207 = arith.constant 16 : i32
      %mul3A_208 = arith.muli %scan3A_170, %mul3A_207 : i32
      %swap3A_209 = arith.constant 6 : i32
      %swap3A_210 = arith.index_cast %swap3A_209 : i32 to index
      %swap3A_211 = arith.index_cast %mul3A_208 : i32 to index
      %swap3A_212 = tpu.vector_load %arg10[%swap3A_210, %swap3A_211] {strides = array<i32>} : memref<16x1023xf32, #tpu.memory_space<vmem>>, vector<16xf32>,
      tpu.vector_store %arg10[%swap3A_210, %swap3A_211], %broadcast_in_dim3A_1 {strides = array<i32>} : memref<16x1023xf32, #tpu.memory_space<vmem>>, vector<16xf32>,
      %mul3A_213 = arith.constant 16 : i32
      %mul3A_214 = arith.muli %scan3A_170, %mul3A_213 : i32
      %swap3A_215 = arith.constant 7 : i32
      %swap3A_216 = arith.index_cast %swap3A_215 : i32 to index
      %swap3A_217 = arith.index_cast %mul3A_214 : i32 to index
      %swap3A_218 = tpu.vector_load %arg10[%swap3A_216, %swap3A_217] {strides = array<i32>} : memref<16x1023xf32, #tpu.memory_space<vmem>>, vector<16xf32>,
      tpu.vector_store %arg10[%swap3A_216, %swap3A_217], %broadcast_in_dim3A_1 {strides = array<i32>} : memref<16x1023xf32, #tpu.memory_space<vmem>>, vector<16xf32>,
      %mul3A_219 = arith.constant 16 : i32
      %mul3A_220 = arith.muli %scan3A_170, %mul3A_219 : i32
      %swap3A_221 = arith.constant 8 : i32
      %swap3A_222 = arith.index_cast %swap3A_221 : i32 to index
      %swap3A_223 = arith.index_cast %mul3A_220 : i32 to index
      %swap3A_224 = tpu.vector_load %arg10[%swap3A_222, %swap3A_223] {strides = array<i32>} : memref<16x1023xf32, #tpu.memory_space<vmem>>, vector<16xf32>,
      tpu.vector_store %arg10[%swap3A_222, %swap3A_223], %broadcast_in_dim3A_1 {strides = array<i32>} : memref<16x1023xf32, #tpu.memory_space<vmem>>, vector<16xf32>,
      %mul3A_225 = arith.constant 16 : i32
      %mul3A_226 = arith.muli %scan3A_170, %mul3A_225 : i32
      %swap3A_227 = arith.constant 9 : i32
      %swap3A_228 = arith.index_cast %swap3A_227 : i32 to index
      %swap3A_229 = arith.index_cast %mul3A_226 : i32 to index
      %swap3A_230 = tpu.vector_load %arg10[%swap3A_228, %swap3A_229] {strides = array<i32>} : memref<16x1023xf32, #tpu.memory_space<vmem>>, vector<16xf32>,
      tpu.vector_store %arg10[%swap3A_228, %swap3A_229], %broadcast_in_dim3A_1 {strides = array<i32>} : memref<16x1023xf32, #tpu.memory_space<vmem>>, vector<16xf32>,
      %mul3A_231 = arith.constant 16 : i32
      %mul3A_232 = arith.muli %scan3A_170, %mul3A_231 : i32
      %swap3A_233 = arith.constant 10 : i32
      %swap3A_234 = arith.index_cast %swap3A_233 : i32 to index
      %swap3A_235 = arith.index_cast %mul3A_232 : i32 to index
      %swap3A_236 = tpu.vector_load %arg10[%swap3A_234, %swap3A_235] {strides = array<i32>} : memref<16x1023xf32, #tpu.memory_space<vmem>>, vector<16xf32>,
      tpu.vector_store %arg10[%swap3A_234, %swap3A_235], %broadcast_in_dim3A_1 {strides = array<i32>} : memref<16x1023xf32, #tpu.memory_space<vmem>>, vector<16xf32>,
      %mul3A_237 = arith.constant 16 : i32
      %mul3A_238 = arith.muli %scan3A_170, %mul3A_237 : i32
      %swap3A_239 = arith.constant 11 : i32
      %swap3A_240 = arith.index_cast %swap3A_239 : i32 to index
      %swap3A_241 = arith.index_cast %mul3A_238 : i32 to index
      %swap3A_242 = tpu.vector_load %arg10[%swap3A_240, %swap3A_241] {strides = array<i32>} : memref<16x1023xf32, #tpu.memory_space<vmem>>, vector<16xf32>,
      tpu.vector_store %arg10[%swap3A_240, %swap3A_241], %broadcast_in_dim3A_1 {strides = array<i32>} : memref<16x1023xf32, #tpu.memory_space<vmem>>, vector<16xf32>,
      %mul3A_243 = arith.constant 16 : i32
      %mul3A_244 = arith.muli %scan3A_170, %mul3A_243 : i32
      %swap3A_245 = arith.constant 12 : i32
      %swap3A_246 = arith.index_cast %swap3A_245 : i32 to index
      %swap3A_247 = arith.index_cast %mul3A_244 : i32 to index
      %swap3A_248 = tpu.vector_load %arg10[%swap3A_246, %swap3A_247] {strides = array<i32>} : memref<16x1023xf32, #tpu.memory_space<vmem>>, vector<16xf32>,
      tpu.vector_store %arg10[%swap3A_246, %swap3A_247], %broadcast_in_dim3A_1 {strides = array<i32>} : memref<16x1023xf32, #tpu.memory_space<vmem>>, vector<16xf32>,
      %mul3A_249 = arith.constant 16 : i32
      %mul3A_250 = arith.muli %scan3A_170, %mul3A_249 : i32
      %swap3A_251 = arith.constant 13 : i32
      %swap3A_252 = arith.index_cast %swap3A_251 : i32 to index
      %swap3A_253 = arith.index_cast %mul3A_250 : i32 to index
      %swap3A_254 = tpu.vector_load %arg10[%swap3A_252, %swap3A_253] {strides = array<i32>} : memref<16x1023xf32, #tpu.memory_space<vmem>>, vector<16xf32>,
      tpu.vector_store %arg10[%swap3A_252, %swap3A_253], %broadcast_in_dim3A_1 {strides = array<i32>} : memref<16x1023xf32, #tpu.memory_space<vmem>>, vector<16xf32>,
      %mul3A_255 = arith.constant 16 : i32
      %mul3A_256 = arith.muli %scan3A_170, %mul3A_255 : i32
      %swap3A_257 = arith.constant 14 : i32
      %swap3A_258 = arith.index_cast %swap3A_257 : i32 to index
      %swap3A_259 = arith.index_cast %mul3A_256 : i32 to index
      %swap3A_260 = tpu.vector_load %arg10[%swap3A_258, %swap3A_259] {strides = array<i32>} : memref<16x1023xf32, #tpu.memory_space<vmem>>, vector<16xf32>,
      tpu.vector_store %arg10[%swap3A_258, %swap3A_259], %broadcast_in_dim3A_1 {strides = array<i32>} : memref<16x1023xf32, #tpu.memory_space<vmem>>, vector<16xf32>,
      %mul3A_261 = arith.constant 16 : i32
      %mul3A_262 = arith.muli %scan3A_170, %mul3A_261 : i32
      %swap3A_263 = arith.constant 15 : i32
      %swap3A_264 = arith.index_cast %swap3A_263 : i32 to index
      %swap3A_265 = arith.index_cast %mul3A_262 : i32 to index
      %swap3A_266 = tpu.vector_load %arg10[%swap3A_264, %swap3A_265] {strides = array<i32>} : memref<16x1023xf32, #tpu.memory_space<vmem>>, vector<16xf32>,
      tpu.vector_store %arg10[%swap3A_264, %swap3A_265], %broadcast_in_dim3A_1 {strides = array<i32>} : memref<16x1023xf32, #tpu.memory_space<vmem>>, vector<16xf32>,
      %scan3A_267 = arith.constant 0 : i32
      scf.yield %scan3A_267 : i32
    }
    %scan3A_44 = arith.constant 63 : i32
    tpu.vector_store_idx %arg10[%broadcast_in_dim3A_5, %add3A_38], %broadcast_in_dim3A_1 : memref<16x1023xf32, #tpu.memory_space<vmem>>[vector<16xi32>, vector<16xi32>], vector<16xf32>,
    tpu.vector_store_idx %arg10[%broadcast_in_dim3A_7, %add3A_38], %broadcast_in_dim3A_1 : memref<16x1023xf32, #tpu.memory_space<vmem>>[vector<16xi32>, vector<16xi32>], vector<16xf32>,
    tpu.vector_store_idx %arg10[%broadcast_in_dim3A_9, %add3A_38], %broadcast_in_dim3A_1 : memref<16x1023xf32, #tpu.memory_space<vmem>>[vector<16xi32>, vector<16xi32>], vector<16xf32>,
    tpu.vector_store_idx %arg10[%broadcast_in_dim3A_11, %add3A_38], %broadcast_in_dim3A_1 : memref<16x1023xf32, #tpu.memory_space<vmem>>[vector<16xi32>, vector<16xi32>], vector<16xf32>,
    tpu.vector_store_idx %arg10[%broadcast_in_dim3A_13, %add3A_38], %broadcast_in_dim3A_1 : memref<16x1023xf32, #tpu.memory_space<vmem>>[vector<16xi32>, vector<16xi32>], vector<16xf32>,
    tpu.vector_store_idx %arg10[%broadcast_in_dim3A_15, %add3A_38], %broadcast_in_dim3A_1 : memref<16x1023xf32, #tpu.memory_space<vmem>>[vector<16xi32>, vector<16xi32>], vector<16xf32>,
    tpu.vector_store_idx %arg10[%broadcast_in_dim3A_17, %add3A_38], %broadcast_in_dim3A_1 : memref<16x1023xf32, #tpu.memory_space<vmem>>[vector<16xi32>, vector<16xi32>], vector<16xf32>,
    tpu.vector_store_idx %arg10[%broadcast_in_dim3A_19, %add3A_38], %broadcast_in_dim3A_1 : memref<16x1023xf32, #tpu.memory_space<vmem>>[vector<16xi32>, vector<16xi32>], vector<16xf32>,
    tpu.vector_store_idx %arg10[%broadcast_in_dim3A_21, %add3A_38], %broadcast_in_dim3A_1 : memref<16x1023xf32, #tpu.memory_space<vmem>>[vector<16xi32>, vector<16xi32>], vector<16xf32>,
    tpu.vector_store_idx %arg10[%broadcast_in_dim3A_23, %add3A_38], %broadcast_in_dim3A_1 : memref<16x1023xf32, #tpu.memory_space<vmem>>[vector<16xi32>, vector<16xi32>], vector<16xf32>,
    tpu.vector_store_idx %arg10[%broadcast_in_dim3A_25, %add3A_38], %broadcast_in_dim3A_1 : memref<16x1023xf32, #tpu.memory_space<vmem>>[vector<16xi32>, vector<16xi32>], vector<16xf32>,
    tpu.vector_store_idx %arg10[%broadcast_in_dim3A_27, %add3A_38], %broadcast_in_dim3A_1 : memref<16x1023xf32, #tpu.memory_space<vmem>>[vector<16xi32>, vector<16xi32>], vector<16xf32>,
    tpu.vector_store_idx %arg10[%broadcast_in_dim3A_29, %add3A_38], %broadcast_in_dim3A_1 : memref<16x1023xf32, #tpu.memory_space<vmem>>[vector<16xi32>, vector<16xi32>], vector<16xf32>,
    tpu.vector_store_idx %arg10[%broadcast_in_dim3A_31, %add3A_38], %broadcast_in_dim3A_1 : memref<16x1023xf32, #tpu.memory_space<vmem>>[vector<16xi32>, vector<16xi32>], vector<16xf32>,
    tpu.vector_store_idx %arg10[%broadcast_in_dim3A_33, %add3A_38], %broadcast_in_dim3A_1 : memref<16x1023xf32, #tpu.memory_space<vmem>>[vector<16xi32>, vector<16xi32>], vector<16xf32>,
    tpu.vector_store_idx %arg10[%broadcast_in_dim3A_35, %add3A_38], %broadcast_in_dim3A_1 : memref<16x1023xf32, #tpu.memory_space<vmem>>[vector<16xi32>, vector<16xi32>], vector<16xf32>,
    %scan3A_45 = arith.constant 0 : i32
    %scan3A_46 = arith.constant 0 : i32
    %scan3A_47 = arith.constant 63 : i32
    %scan3A_48 = arith.addi %scan3A_46, %scan3A_47 : i32
    %scan3A_49 = arith.constant 1 : i32
    %scan3A_50 = scf.for %scan3A_170 = %scan3A_46 to %scan3A_48 step %scan3A_49 iter_args(%scan3A_171 = %scan3A_45) -> (i32)  : i32 {
      %mul3A_172 = arith.constant 16 : i32
      %mul3A_173 = arith.muli %scan3A_170, %mul3A_172 : i32
      %swap3A = arith.constant 0 : i32
      %swap3A_174 = arith.index_cast %swap3A : i32 to index
      %swap3A_175 = arith.index_cast %mul3A_173 : i32 to index
      %swap3A_176 = tpu.vector_load %arg11[%swap3A_174, %swap3A_175] {strides = array<i32>} : memref<16x1023xf32, #tpu.memory_space<vmem>>, vector<16xf32>,
      tpu.vector_store %arg11[%swap3A_174, %swap3A_175], %broadcast_in_dim3A_1 {strides = array<i32>} : memref<16x1023xf32, #tpu.memory_space<vmem>>, vector<16xf32>,
      %mul3A_177 = arith.constant 16 : i32
      %mul3A_178 = arith.muli %scan3A_170, %mul3A_177 : i32
      %swap3A_179 = arith.constant 1 : i32
      %swap3A_180 = arith.index_cast %swap3A_179 : i32 to index
      %swap3A_181 = arith.index_cast %mul3A_178 : i32 to index
      %swap3A_182 = tpu.vector_load %arg11[%swap3A_180, %swap3A_181] {strides = array<i32>} : memref<16x1023xf32, #tpu.memory_space<vmem>>, vector<16xf32>,
      tpu.vector_store %arg11[%swap3A_180, %swap3A_181], %broadcast_in_dim3A_1 {strides = array<i32>} : memref<16x1023xf32, #tpu.memory_space<vmem>>, vector<16xf32>,
      %mul3A_183 = arith.constant 16 : i32
      %mul3A_184 = arith.muli %scan3A_170, %mul3A_183 : i32
      %swap3A_185 = arith.constant 2 : i32
      %swap3A_186 = arith.index_cast %swap3A_185 : i32 to index
      %swap3A_187 = arith.index_cast %mul3A_184 : i32 to index
      %swap3A_188 = tpu.vector_load %arg11[%swap3A_186, %swap3A_187] {strides = array<i32>} : memref<16x1023xf32, #tpu.memory_space<vmem>>, vector<16xf32>,
      tpu.vector_store %arg11[%swap3A_186, %swap3A_187], %broadcast_in_dim3A_1 {strides = array<i32>} : memref<16x1023xf32, #tpu.memory_space<vmem>>, vector<16xf32>,
      %mul3A_189 = arith.constant 16 : i32
      %mul3A_190 = arith.muli %scan3A_170, %mul3A_189 : i32
      %swap3A_191 = arith.constant 3 : i32
      %swap3A_192 = arith.index_cast %swap3A_191 : i32 to index
      %swap3A_193 = arith.index_cast %mul3A_190 : i32 to index
      %swap3A_194 = tpu.vector_load %arg11[%swap3A_192, %swap3A_193] {strides = array<i32>} : memref<16x1023xf32, #tpu.memory_space<vmem>>, vector<16xf32>,
      tpu.vector_store %arg11[%swap3A_192, %swap3A_193], %broadcast_in_dim3A_1 {strides = array<i32>} : memref<16x1023xf32, #tpu.memory_space<vmem>>, vector<16xf32>,
      %mul3A_195 = arith.constant 16 : i32
      %mul3A_196 = arith.muli %scan3A_170, %mul3A_195 : i32
      %swap3A_197 = arith.constant 4 : i32
      %swap3A_198 = arith.index_cast %swap3A_197 : i32 to index
      %swap3A_199 = arith.index_cast %mul3A_196 : i32 to index
      %swap3A_200 = tpu.vector_load %arg11[%swap3A_198, %swap3A_199] {strides = array<i32>} : memref<16x1023xf32, #tpu.memory_space<vmem>>, vector<16xf32>,
      tpu.vector_store %arg11[%swap3A_198, %swap3A_199], %broadcast_in_dim3A_1 {strides = array<i32>} : memref<16x1023xf32, #tpu.memory_space<vmem>>, vector<16xf32>,
      %mul3A_201 = arith.constant 16 : i32
      %mul3A_202 = arith.muli %scan3A_170, %mul3A_201 : i32
      %swap3A_203 = arith.constant 5 : i32
      %swap3A_204 = arith.index_cast %swap3A_203 : i32 to index
      %swap3A_205 = arith.index_cast %mul3A_202 : i32 to index
      %swap3A_206 = tpu.vector_load %arg11[%swap3A_204, %swap3A_205] {strides = array<i32>} : memref<16x1023xf32, #tpu.memory_space<vmem>>, vector<16xf32>,
      tpu.vector_store %arg11[%swap3A_204, %swap3A_205], %broadcast_in_dim3A_1 {strides = array<i32>} : memref<16x1023xf32, #tpu.memory_space<vmem>>, vector<16xf32>,
      %mul3A_207 = arith.constant 16 : i32
      %mul3A_208 = arith.muli %scan3A_170, %mul3A_207 : i32
      %swap3A_209 = arith.constant 6 : i32
      %swap3A_210 = arith.index_cast %swap3A_209 : i32 to index
      %swap3A_211 = arith.index_cast %mul3A_208 : i32 to index
      %swap3A_212 = tpu.vector_load %arg11[%swap3A_210, %swap3A_211] {strides = array<i32>} : memref<16x1023xf32, #tpu.memory_space<vmem>>, vector<16xf32>,
      tpu.vector_store %arg11[%swap3A_210, %swap3A_211], %broadcast_in_dim3A_1 {strides = array<i32>} : memref<16x1023xf32, #tpu.memory_space<vmem>>, vector<16xf32>,
      %mul3A_213 = arith.constant 16 : i32
      %mul3A_214 = arith.muli %scan3A_170, %mul3A_213 : i32
      %swap3A_215 = arith.constant 7 : i32
      %swap3A_216 = arith.index_cast %swap3A_215 : i32 to index
      %swap3A_217 = arith.index_cast %mul3A_214 : i32 to index
      %swap3A_218 = tpu.vector_load %arg11[%swap3A_216, %swap3A_217] {strides = array<i32>} : memref<16x1023xf32, #tpu.memory_space<vmem>>, vector<16xf32>,
      tpu.vector_store %arg11[%swap3A_216, %swap3A_217], %broadcast_in_dim3A_1 {strides = array<i32>} : memref<16x1023xf32, #tpu.memory_space<vmem>>, vector<16xf32>,
      %mul3A_219 = arith.constant 16 : i32
      %mul3A_220 = arith.muli %scan3A_170, %mul3A_219 : i32
      %swap3A_221 = arith.constant 8 : i32
      %swap3A_222 = arith.index_cast %swap3A_221 : i32 to index
      %swap3A_223 = arith.index_cast %mul3A_220 : i32 to index
      %swap3A_224 = tpu.vector_load %arg11[%swap3A_222, %swap3A_223] {strides = array<i32>} : memref<16x1023xf32, #tpu.memory_space<vmem>>, vector<16xf32>,
      tpu.vector_store %arg11[%swap3A_222, %swap3A_223], %broadcast_in_dim3A_1 {strides = array<i32>} : memref<16x1023xf32, #tpu.memory_space<vmem>>, vector<16xf32>,
      %mul3A_225 = arith.constant 16 : i32
      %mul3A_226 = arith.muli %scan3A_170, %mul3A_225 : i32
      %swap3A_227 = arith.constant 9 : i32
      %swap3A_228 = arith.index_cast %swap3A_227 : i32 to index
      %swap3A_229 = arith.index_cast %mul3A_226 : i32 to index
      %swap3A_230 = tpu.vector_load %arg11[%swap3A_228, %swap3A_229] {strides = array<i32>} : memref<16x1023xf32, #tpu.memory_space<vmem>>, vector<16xf32>,
      tpu.vector_store %arg11[%swap3A_228, %swap3A_229], %broadcast_in_dim3A_1 {strides = array<i32>} : memref<16x1023xf32, #tpu.memory_space<vmem>>, vector<16xf32>,
      %mul3A_231 = arith.constant 16 : i32
      %mul3A_232 = arith.muli %scan3A_170, %mul3A_231 : i32
      %swap3A_233 = arith.constant 10 : i32
      %swap3A_234 = arith.index_cast %swap3A_233 : i32 to index
      %swap3A_235 = arith.index_cast %mul3A_232 : i32 to index
      %swap3A_236 = tpu.vector_load %arg11[%swap3A_234, %swap3A_235] {strides = array<i32>} : memref<16x1023xf32, #tpu.memory_space<vmem>>, vector<16xf32>,
      tpu.vector_store %arg11[%swap3A_234, %swap3A_235], %broadcast_in_dim3A_1 {strides = array<i32>} : memref<16x1023xf32, #tpu.memory_space<vmem>>, vector<16xf32>,
      %mul3A_237 = arith.constant 16 : i32
      %mul3A_238 = arith.muli %scan3A_170, %mul3A_237 : i32
      %swap3A_239 = arith.constant 11 : i32
      %swap3A_240 = arith.index_cast %swap3A_239 : i32 to index
      %swap3A_241 = arith.index_cast %mul3A_238 : i32 to index
      %swap3A_242 = tpu.vector_load %arg11[%swap3A_240, %swap3A_241] {strides = array<i32>} : memref<16x1023xf32, #tpu.memory_space<vmem>>, vector<16xf32>,
      tpu.vector_store %arg11[%swap3A_240, %swap3A_241], %broadcast_in_dim3A_1 {strides = array<i32>} : memref<16x1023xf32, #tpu.memory_space<vmem>>, vector<16xf32>,
      %mul3A_243 = arith.constant 16 : i32
      %mul3A_244 = arith.muli %scan3A_170, %mul3A_243 : i32
      %swap3A_245 = arith.constant 12 : i32
      %swap3A_246 = arith.index_cast %swap3A_245 : i32 to index
      %swap3A_247 = arith.index_cast %mul3A_244 : i32 to index
      %swap3A_248 = tpu.vector_load %arg11[%swap3A_246, %swap3A_247] {strides = array<i32>} : memref<16x1023xf32, #tpu.memory_space<vmem>>, vector<16xf32>,
      tpu.vector_store %arg11[%swap3A_246, %swap3A_247], %broadcast_in_dim3A_1 {strides = array<i32>} : memref<16x1023xf32, #tpu.memory_space<vmem>>, vector<16xf32>,
      %mul3A_249 = arith.constant 16 : i32
      %mul3A_250 = arith.muli %scan3A_170, %mul3A_249 : i32
      %swap3A_251 = arith.constant 13 : i32
      %swap3A_252 = arith.index_cast %swap3A_251 : i32 to index
      %swap3A_253 = arith.index_cast %mul3A_250 : i32 to index
      %swap3A_254 = tpu.vector_load %arg11[%swap3A_252, %swap3A_253] {strides = array<i32>} : memref<16x1023xf32, #tpu.memory_space<vmem>>, vector<16xf32>,
      tpu.vector_store %arg11[%swap3A_252, %swap3A_253], %broadcast_in_dim3A_1 {strides = array<i32>} : memref<16x1023xf32, #tpu.memory_space<vmem>>, vector<16xf32>,
      %mul3A_255 = arith.constant 16 : i32
      %mul3A_256 = arith.muli %scan3A_170, %mul3A_255 : i32
      %swap3A_257 = arith.constant 14 : i32
      %swap3A_258 = arith.index_cast %swap3A_257 : i32 to index
      %swap3A_259 = arith.index_cast %mul3A_256 : i32 to index
      %swap3A_260 = tpu.vector_load %arg11[%swap3A_258, %swap3A_259] {strides = array<i32>} : memref<16x1023xf32, #tpu.memory_space<vmem>>, vector<16xf32>,
      tpu.vector_store %arg11[%swap3A_258, %swap3A_259], %broadcast_in_dim3A_1 {strides = array<i32>} : memref<16x1023xf32, #tpu.memory_space<vmem>>, vector<16xf32>,
      %mul3A_261 = arith.constant 16 : i32
      %mul3A_262 = arith.muli %scan3A_170, %mul3A_261 : i32
      %swap3A_263 = arith.constant 15 : i32
      %swap3A_264 = arith.index_cast %swap3A_263 : i32 to index
      %swap3A_265 = arith.index_cast %mul3A_262 : i32 to index
      %swap3A_266 = tpu.vector_load %arg11[%swap3A_264, %swap3A_265] {strides = array<i32>} : memref<16x1023xf32, #tpu.memory_space<vmem>>, vector<16xf32>,
      tpu.vector_store %arg11[%swap3A_264, %swap3A_265], %broadcast_in_dim3A_1 {strides = array<i32>} : memref<16x1023xf32, #tpu.memory_space<vmem>>, vector<16xf32>,
      %scan3A_267 = arith.constant 0 : i32
      scf.yield %scan3A_267 : i32
    }
    %scan3A_51 = arith.constant 63 : i32
    tpu.vector_store_idx %arg11[%broadcast_in_dim3A_5, %add3A_38], %broadcast_in_dim3A_1 : memref<16x1023xf32, #tpu.memory_space<vmem>>[vector<16xi32>, vector<16xi32>], vector<16xf32>,
    tpu.vector_store_idx %arg11[%broadcast_in_dim3A_7, %add3A_38], %broadcast_in_dim3A_1 : memref<16x1023xf32, #tpu.memory_space<vmem>>[vector<16xi32>, vector<16xi32>], vector<16xf32>,
    tpu.vector_store_idx %arg11[%broadcast_in_dim3A_9, %add3A_38], %broadcast_in_dim3A_1 : memref<16x1023xf32, #tpu.memory_space<vmem>>[vector<16xi32>, vector<16xi32>], vector<16xf32>,
    tpu.vector_store_idx %arg11[%broadcast_in_dim3A_11, %add3A_38], %broadcast_in_dim3A_1 : memref<16x1023xf32, #tpu.memory_space<vmem>>[vector<16xi32>, vector<16xi32>], vector<16xf32>,
    tpu.vector_store_idx %arg11[%broadcast_in_dim3A_13, %add3A_38], %broadcast_in_dim3A_1 : memref<16x1023xf32, #tpu.memory_space<vmem>>[vector<16xi32>, vector<16xi32>], vector<16xf32>,
    tpu.vector_store_idx %arg11[%broadcast_in_dim3A_15, %add3A_38], %broadcast_in_dim3A_1 : memref<16x1023xf32, #tpu.memory_space<vmem>>[vector<16xi32>, vector<16xi32>], vector<16xf32>,
    tpu.vector_store_idx %arg11[%broadcast_in_dim3A_17, %add3A_38], %broadcast_in_dim3A_1 : memref<16x1023xf32, #tpu.memory_space<vmem>>[vector<16xi32>, vector<16xi32>], vector<16xf32>,
    tpu.vector_store_idx %arg11[%broadcast_in_dim3A_19, %add3A_38], %broadcast_in_dim3A_1 : memref<16x1023xf32, #tpu.memory_space<vmem>>[vector<16xi32>, vector<16xi32>], vector<16xf32>,
    tpu.vector_store_idx %arg11[%broadcast_in_dim3A_21, %add3A_38], %broadcast_in_dim3A_1 : memref<16x1023xf32, #tpu.memory_space<vmem>>[vector<16xi32>, vector<16xi32>], vector<16xf32>,
    tpu.vector_store_idx %arg11[%broadcast_in_dim3A_23, %add3A_38], %broadcast_in_dim3A_1 : memref<16x1023xf32, #tpu.memory_space<vmem>>[vector<16xi32>, vector<16xi32>], vector<16xf32>,
    tpu.vector_store_idx %arg11[%broadcast_in_dim3A_25, %add3A_38], %broadcast_in_dim3A_1 : memref<16x1023xf32, #tpu.memory_space<vmem>>[vector<16xi32>, vector<16xi32>], vector<16xf32>,
    tpu.vector_store_idx %arg11[%broadcast_in_dim3A_27, %add3A_38], %broadcast_in_dim3A_1 : memref<16x1023xf32, #tpu.memory_space<vmem>>[vector<16xi32>, vector<16xi32>], vector<16xf32>,
    tpu.vector_store_idx %arg11[%broadcast_in_dim3A_29, %add3A_38], %broadcast_in_dim3A_1 : memref<16x1023xf32, #tpu.memory_space<vmem>>[vector<16xi32>, vector<16xi32>], vector<16xf32>,
    tpu.vector_store_idx %arg11[%broadcast_in_dim3A_31, %add3A_38], %broadcast_in_dim3A_1 : memref<16x1023xf32, #tpu.memory_space<vmem>>[vector<16xi32>, vector<16xi32>], vector<16xf32>,
    tpu.vector_store_idx %arg11[%broadcast_in_dim3A_33, %add3A_38], %broadcast_in_dim3A_1 : memref<16x1023xf32, #tpu.memory_space<vmem>>[vector<16xi32>, vector<16xi32>], vector<16xf32>,
    tpu.vector_store_idx %arg11[%broadcast_in_dim3A_35, %add3A_38], %broadcast_in_dim3A_1 : memref<16x1023xf32, #tpu.memory_space<vmem>>[vector<16xi32>, vector<16xi32>], vector<16xf32>,
    %dma_start3A = arith.constant 0 : i32
    %dma_start3A_52 = tpu.memref_slice %arg2[%mul3A_3, %dma_start3A] : memref<8192x1024xf32, #tpu.memory_space<hbm>> -> memref<16x1024xf32, #tpu.memory_space<hbm>>
    %dma_start3A_53 = arith.constant 0 : i32
    %dma_start3A_54 = tpu.memref_slice %arg2[%mul3A_3, %dma_start3A_53] : memref<8192x1024xf32, #tpu.memory_space<hbm>> -> memref<16x1024xf32, #tpu.memory_space<hbm>>
    tpu.enqueue_dma source(%dma_start3A_54 : memref<16x1024xf32, #tpu.memory_space<hbm>>) target(%arg8 : memref<16x1024xf32, #tpu.memory_space<vmem>>) target_semaphore(%arg12 : memref<!tpu.dma_semaphore, #tpu.memory_space<semaphore_mem>>)
    %add3A_55 = arith.constant 16 : i32
    %add3A_56 = arith.addi %mul3A_3, %add3A_55 : i32
    %dma_start3A_57 = arith.constant 0 : i32
    %dma_start3A_58 = tpu.memref_slice %arg2[%add3A_56, %dma_start3A_57] : memref<8192x1024xf32, #tpu.memory_space<hbm>> -> memref<16x1024xf32, #tpu.memory_space<hbm>>
    %dma_start3A_59 = arith.constant 0 : i32
    %dma_start3A_60 = tpu.memref_slice %arg2[%add3A_56, %dma_start3A_59] : memref<8192x1024xf32, #tpu.memory_space<hbm>> -> memref<16x1024xf32, #tpu.memory_space<hbm>>
    tpu.enqueue_dma source(%dma_start3A_60 : memref<16x1024xf32, #tpu.memory_space<hbm>>) target(%arg9 : memref<16x1024xf32, #tpu.memory_space<vmem>>) target_semaphore(%arg13 : memref<!tpu.dma_semaphore, #tpu.memory_space<semaphore_mem>>)
    %dma_wait3A = arith.constant 0 : i32
    %dma_wait3A_61 = tpu.memref_slice %arg2[%mul3A_3, %dma_wait3A] : memref<8192x1024xf32, #tpu.memory_space<hbm>> -> memref<16x1024xf32, #tpu.memory_space<hbm>>
    %dma_wait3A_62 = arith.constant 0 : i32
    %dma_wait3A_63 = tpu.memref_slice %arg2[%mul3A_3, %dma_wait3A_62] : memref<8192x1024xf32, #tpu.memory_space<hbm>> -> memref<16x1024xf32, #tpu.memory_space<hbm>>
    tpu.wait_dma2 semaphore(%arg12 : memref<!tpu.dma_semaphore, #tpu.memory_space<semaphore_mem>>) src(%dma_wait3A_63 : memref<16x1024xf32, #tpu.memory_space<hbm>>) dst(%arg8 : memref<16x1024xf32, #tpu.memory_space<vmem>>)
    %scan3A_64 = arith.constant 0 : i32
    %scan3A_65 = arith.constant 0 : i32
    %scan3A_66 = arith.constant 64 : i32
    %scan3A_67 = arith.addi %scan3A_65, %scan3A_66 : i32
    %scan3A_68 = arith.constant 1 : i32
    %scan3A_69 = scf.for %scan3A_170 = %scan3A_65 to %scan3A_67 step %scan3A_68 iter_args(%scan3A_171 = %scan3A_64) -> (i32)  : i32 {
      %mul3A_172 = arith.constant 16 : i32
      %mul3A_173 = arith.muli %scan3A_170, %mul3A_172 : i32
      %get3A = arith.index_cast %mul3A_173 : i32 to index
      %get3A_174 = tpu.vector_load %arg6[%get3A] {strides = array<i32>} : memref<1024xi32, #tpu.memory_space<vmem>>, vector<16xi32>,
      %get3A_175 = arith.index_cast %mul3A_173 : i32 to index
      %get3A_176 = tpu.vector_load %arg7[%get3A_175] {strides = array<i32>} : memref<1024xf32, #tpu.memory_space<vmem>>, vector<16xf32>,
      %get3A_177 = arith.constant 0 : i32
      %get3A_178 = arith.index_cast %get3A_177 : i32 to index
      %get3A_179 = arith.index_cast %mul3A_173 : i32 to index
      %get3A_180 = tpu.vector_load %arg8[%get3A_178, %get3A_179] {strides = array<i32>} : memref<16x1024xf32, #tpu.memory_space<vmem>>, vector<16xf32>,
      %mul3A_181 = arith.mulf %get3A_180, %get3A_176 : vector<16xf32>
      %get3A_182 = arith.constant 1 : i32
      %get3A_183 = arith.index_cast %get3A_182 : i32 to index
      %get3A_184 = arith.index_cast %mul3A_173 : i32 to index
      %get3A_185 = tpu.vector_load %arg8[%get3A_183, %get3A_184] {strides = array<i32>} : memref<16x1024xf32, #tpu.memory_space<vmem>>, vector<16xf32>,
      %mul3A_186 = arith.mulf %get3A_185, %get3A_176 : vector<16xf32>
      %get3A_187 = arith.constant 2 : i32
      %get3A_188 = arith.index_cast %get3A_187 : i32 to index
      %get3A_189 = arith.index_cast %mul3A_173 : i32 to index
      %get3A_190 = tpu.vector_load %arg8[%get3A_188, %get3A_189] {strides = array<i32>} : memref<16x1024xf32, #tpu.memory_space<vmem>>, vector<16xf32>,
      %mul3A_191 = arith.mulf %get3A_190, %get3A_176 : vector<16xf32>
      %get3A_192 = arith.constant 3 : i32
      %get3A_193 = arith.index_cast %get3A_192 : i32 to index
      %get3A_194 = arith.index_cast %mul3A_173 : i32 to index
      %get3A_195 = tpu.vector_load %arg8[%get3A_193, %get3A_194] {strides = array<i32>} : memref<16x1024xf32, #tpu.memory_space<vmem>>, vector<16xf32>,
      %mul3A_196 = arith.mulf %get3A_195, %get3A_176 : vector<16xf32>
      %get3A_197 = arith.constant 4 : i32
      %get3A_198 = arith.index_cast %get3A_197 : i32 to index
      %get3A_199 = arith.index_cast %mul3A_173 : i32 to index
      %get3A_200 = tpu.vector_load %arg8[%get3A_198, %get3A_199] {strides = array<i32>} : memref<16x1024xf32, #tpu.memory_space<vmem>>, vector<16xf32>,
      %mul3A_201 = arith.mulf %get3A_200, %get3A_176 : vector<16xf32>
      %get3A_202 = arith.constant 5 : i32
      %get3A_203 = arith.index_cast %get3A_202 : i32 to index
      %get3A_204 = arith.index_cast %mul3A_173 : i32 to index
      %get3A_205 = tpu.vector_load %arg8[%get3A_203, %get3A_204] {strides = array<i32>} : memref<16x1024xf32, #tpu.memory_space<vmem>>, vector<16xf32>,
      %mul3A_206 = arith.mulf %get3A_205, %get3A_176 : vector<16xf32>
      %get3A_207 = arith.constant 6 : i32
      %get3A_208 = arith.index_cast %get3A_207 : i32 to index
      %get3A_209 = arith.index_cast %mul3A_173 : i32 to index
      %get3A_210 = tpu.vector_load %arg8[%get3A_208, %get3A_209] {strides = array<i32>} : memref<16x1024xf32, #tpu.memory_space<vmem>>, vector<16xf32>,
      %mul3A_211 = arith.mulf %get3A_210, %get3A_176 : vector<16xf32>
      %get3A_212 = arith.constant 7 : i32
      %get3A_213 = arith.index_cast %get3A_212 : i32 to index
      %get3A_214 = arith.index_cast %mul3A_173 : i32 to index
      %get3A_215 = tpu.vector_load %arg8[%get3A_213, %get3A_214] {strides = array<i32>} : memref<16x1024xf32, #tpu.memory_space<vmem>>, vector<16xf32>,
      %mul3A_216 = arith.mulf %get3A_215, %get3A_176 : vector<16xf32>
      %get3A_217 = arith.constant 8 : i32
      %get3A_218 = arith.index_cast %get3A_217 : i32 to index
      %get3A_219 = arith.index_cast %mul3A_173 : i32 to index
      %get3A_220 = tpu.vector_load %arg8[%get3A_218, %get3A_219] {strides = array<i32>} : memref<16x1024xf32, #tpu.memory_space<vmem>>, vector<16xf32>,
      %mul3A_221 = arith.mulf %get3A_220, %get3A_176 : vector<16xf32>
      %get3A_222 = arith.constant 9 : i32
      %get3A_223 = arith.index_cast %get3A_222 : i32 to index
      %get3A_224 = arith.index_cast %mul3A_173 : i32 to index
      %get3A_225 = tpu.vector_load %arg8[%get3A_223, %get3A_224] {strides = array<i32>} : memref<16x1024xf32, #tpu.memory_space<vmem>>, vector<16xf32>,
      %mul3A_226 = arith.mulf %get3A_225, %get3A_176 : vector<16xf32>
      %get3A_227 = arith.constant 10 : i32
      %get3A_228 = arith.index_cast %get3A_227 : i32 to index
      %get3A_229 = arith.index_cast %mul3A_173 : i32 to index
      %get3A_230 = tpu.vector_load %arg8[%get3A_228, %get3A_229] {strides = array<i32>} : memref<16x1024xf32, #tpu.memory_space<vmem>>, vector<16xf32>,
      %mul3A_231 = arith.mulf %get3A_230, %get3A_176 : vector<16xf32>
      %get3A_232 = arith.constant 11 : i32
      %get3A_233 = arith.index_cast %get3A_232 : i32 to index
      %get3A_234 = arith.index_cast %mul3A_173 : i32 to index
      %get3A_235 = tpu.vector_load %arg8[%get3A_233, %get3A_234] {strides = array<i32>} : memref<16x1024xf32, #tpu.memory_space<vmem>>, vector<16xf32>,
      %mul3A_236 = arith.mulf %get3A_235, %get3A_176 : vector<16xf32>
      %get3A_237 = arith.constant 12 : i32
      %get3A_238 = arith.index_cast %get3A_237 : i32 to index
      %get3A_239 = arith.index_cast %mul3A_173 : i32 to index
      %get3A_240 = tpu.vector_load %arg8[%get3A_238, %get3A_239] {strides = array<i32>} : memref<16x1024xf32, #tpu.memory_space<vmem>>, vector<16xf32>,
      %mul3A_241 = arith.mulf %get3A_240, %get3A_176 : vector<16xf32>
      %get3A_242 = arith.constant 13 : i32
      %get3A_243 = arith.index_cast %get3A_242 : i32 to index
      %get3A_244 = arith.index_cast %mul3A_173 : i32 to index
      %get3A_245 = tpu.vector_load %arg8[%get3A_243, %get3A_244] {strides = array<i32>} : memref<16x1024xf32, #tpu.memory_space<vmem>>, vector<16xf32>,
      %mul3A_246 = arith.mulf %get3A_245, %get3A_176 : vector<16xf32>
      %get3A_247 = arith.constant 14 : i32
      %get3A_248 = arith.index_cast %get3A_247 : i32 to index
      %get3A_249 = arith.index_cast %mul3A_173 : i32 to index
      %get3A_250 = tpu.vector_load %arg8[%get3A_248, %get3A_249] {strides = array<i32>} : memref<16x1024xf32, #tpu.memory_space<vmem>>, vector<16xf32>,
      %mul3A_251 = arith.mulf %get3A_250, %get3A_176 : vector<16xf32>
      %get3A_252 = arith.constant 15 : i32
      %get3A_253 = arith.index_cast %get3A_252 : i32 to index
      %get3A_254 = arith.index_cast %mul3A_173 : i32 to index
      %get3A_255 = tpu.vector_load %arg8[%get3A_253, %get3A_254] {strides = array<i32>} : memref<16x1024xf32, #tpu.memory_space<vmem>>, vector<16xf32>,
      %mul3A_256 = arith.mulf %get3A_255, %get3A_176 : vector<16xf32>
      tpu.vector_store_idx %arg10[%broadcast_in_dim3A_5, %get3A_174], %mul3A_181 {add = true} : memref<16x1023xf32, #tpu.memory_space<vmem>>[vector<16xi32>, vector<16xi32>], vector<16xf32>,
      tpu.vector_store_idx %arg10[%broadcast_in_dim3A_7, %get3A_174], %mul3A_186 {add = true} : memref<16x1023xf32, #tpu.memory_space<vmem>>[vector<16xi32>, vector<16xi32>], vector<16xf32>,
      tpu.vector_store_idx %arg10[%broadcast_in_dim3A_9, %get3A_174], %mul3A_191 {add = true} : memref<16x1023xf32, #tpu.memory_space<vmem>>[vector<16xi32>, vector<16xi32>], vector<16xf32>,
      tpu.vector_store_idx %arg10[%broadcast_in_dim3A_11, %get3A_174], %mul3A_196 {add = true} : memref<16x1023xf32, #tpu.memory_space<vmem>>[vector<16xi32>, vector<16xi32>], vector<16xf32>,
      tpu.vector_store_idx %arg10[%broadcast_in_dim3A_13, %get3A_174], %mul3A_201 {add = true} : memref<16x1023xf32, #tpu.memory_space<vmem>>[vector<16xi32>, vector<16xi32>], vector<16xf32>,
      tpu.vector_store_idx %arg10[%broadcast_in_dim3A_15, %get3A_174], %mul3A_206 {add = true} : memref<16x1023xf32, #tpu.memory_space<vmem>>[vector<16xi32>, vector<16xi32>], vector<16xf32>,
      tpu.vector_store_idx %arg10[%broadcast_in_dim3A_17, %get3A_174], %mul3A_211 {add = true} : memref<16x1023xf32, #tpu.memory_space<vmem>>[vector<16xi32>, vector<16xi32>], vector<16xf32>,
      tpu.vector_store_idx %arg10[%broadcast_in_dim3A_19, %get3A_174], %mul3A_216 {add = true} : memref<16x1023xf32, #tpu.memory_space<vmem>>[vector<16xi32>, vector<16xi32>], vector<16xf32>,
      tpu.vector_store_idx %arg10[%broadcast_in_dim3A_21, %get3A_174], %mul3A_221 {add = true} : memref<16x1023xf32, #tpu.memory_space<vmem>>[vector<16xi32>, vector<16xi32>], vector<16xf32>,
      tpu.vector_store_idx %arg10[%broadcast_in_dim3A_23, %get3A_174], %mul3A_226 {add = true} : memref<16x1023xf32, #tpu.memory_space<vmem>>[vector<16xi32>, vector<16xi32>], vector<16xf32>,
      tpu.vector_store_idx %arg10[%broadcast_in_dim3A_25, %get3A_174], %mul3A_231 {add = true} : memref<16x1023xf32, #tpu.memory_space<vmem>>[vector<16xi32>, vector<16xi32>], vector<16xf32>,
      tpu.vector_store_idx %arg10[%broadcast_in_dim3A_27, %get3A_174], %mul3A_236 {add = true} : memref<16x1023xf32, #tpu.memory_space<vmem>>[vector<16xi32>, vector<16xi32>], vector<16xf32>,
      tpu.vector_store_idx %arg10[%broadcast_in_dim3A_29, %get3A_174], %mul3A_241 {add = true} : memref<16x1023xf32, #tpu.memory_space<vmem>>[vector<16xi32>, vector<16xi32>], vector<16xf32>,
      tpu.vector_store_idx %arg10[%broadcast_in_dim3A_31, %get3A_174], %mul3A_246 {add = true} : memref<16x1023xf32, #tpu.memory_space<vmem>>[vector<16xi32>, vector<16xi32>], vector<16xf32>,
      tpu.vector_store_idx %arg10[%broadcast_in_dim3A_33, %get3A_174], %mul3A_251 {add = true} : memref<16x1023xf32, #tpu.memory_space<vmem>>[vector<16xi32>, vector<16xi32>], vector<16xf32>,
      tpu.vector_store_idx %arg10[%broadcast_in_dim3A_35, %get3A_174], %mul3A_256 {add = true} : memref<16x1023xf32, #tpu.memory_space<vmem>>[vector<16xi32>, vector<16xi32>], vector<16xf32>,
      %scan3A_257 = arith.constant 0 : i32
      scf.yield %scan3A_257 : i32
    }
    %scan3A_70 = arith.constant 64 : i32
    %add3A_71 = arith.constant 0 : i32
    %add3A_72 = arith.addi %mul3A_3, %add3A_71 : i32
    %dma_start3A_73 = arith.constant 0 : i32
    %dma_start3A_74 = tpu.memref_slice %arg5[%add3A_72, %dma_start3A_73] : memref<8192x1023xf32, #tpu.memory_space<hbm>> -> memref<16x1023xf32, #tpu.memory_space<hbm>>
    %dma_start3A_75 = arith.constant 0 : i32
    %dma_start3A_76 = tpu.memref_slice %arg5[%add3A_72, %dma_start3A_75] : memref<8192x1023xf32, #tpu.memory_space<hbm>> -> memref<16x1023xf32, #tpu.memory_space<hbm>>
    tpu.enqueue_dma source(%arg10 : memref<16x1023xf32, #tpu.memory_space<vmem>>) target(%dma_start3A_76 : memref<16x1023xf32, #tpu.memory_space<hbm>>) target_semaphore(%arg14 : memref<!tpu.dma_semaphore, #tpu.memory_space<semaphore_mem>>)
    %add3A_77 = arith.constant 32 : i32
    %add3A_78 = arith.addi %mul3A_3, %add3A_77 : i32
    %dma_start3A_79 = arith.constant 0 : i32
    %dma_start3A_80 = tpu.memref_slice %arg2[%add3A_78, %dma_start3A_79] : memref<8192x1024xf32, #tpu.memory_space<hbm>> -> memref<16x1024xf32, #tpu.memory_space<hbm>>
    %dma_start3A_81 = arith.constant 0 : i32
    %dma_start3A_82 = tpu.memref_slice %arg2[%add3A_78, %dma_start3A_81] : memref<8192x1024xf32, #tpu.memory_space<hbm>> -> memref<16x1024xf32, #tpu.memory_space<hbm>>
    tpu.enqueue_dma source(%dma_start3A_82 : memref<16x1024xf32, #tpu.memory_space<hbm>>) target(%arg8 : memref<16x1024xf32, #tpu.memory_space<vmem>>) target_semaphore(%arg12 : memref<!tpu.dma_semaphore, #tpu.memory_space<semaphore_mem>>)
    %dma_wait3A_83 = arith.constant 0 : i32
    %dma_wait3A_84 = tpu.memref_slice %arg2[%add3A_56, %dma_wait3A_83] : memref<8192x1024xf32, #tpu.memory_space<hbm>> -> memref<16x1024xf32, #tpu.memory_space<hbm>>
    %dma_wait3A_85 = arith.constant 0 : i32
    %dma_wait3A_86 = tpu.memref_slice %arg2[%add3A_56, %dma_wait3A_85] : memref<8192x1024xf32, #tpu.memory_space<hbm>> -> memref<16x1024xf32, #tpu.memory_space<hbm>>
    tpu.wait_dma2 semaphore(%arg13 : memref<!tpu.dma_semaphore, #tpu.memory_space<semaphore_mem>>) src(%dma_wait3A_86 : memref<16x1024xf32, #tpu.memory_space<hbm>>) dst(%arg9 : memref<16x1024xf32, #tpu.memory_space<vmem>>)
    %scan3A_87 = arith.constant 0 : i32
    %scan3A_88 = arith.constant 0 : i32
    %scan3A_89 = arith.constant 64 : i32
    %scan3A_90 = arith.addi %scan3A_88, %scan3A_89 : i32
    %scan3A_91 = arith.constant 1 : i32
    %scan3A_92 = scf.for %scan3A_170 = %scan3A_88 to %scan3A_90 step %scan3A_91 iter_args(%scan3A_171 = %scan3A_87) -> (i32)  : i32 {
      %mul3A_172 = arith.constant 16 : i32
      %mul3A_173 = arith.muli %scan3A_170, %mul3A_172 : i32
      %get3A = arith.index_cast %mul3A_173 : i32 to index
      %get3A_174 = tpu.vector_load %arg6[%get3A] {strides = array<i32>} : memref<1024xi32, #tpu.memory_space<vmem>>, vector<16xi32>,
      %get3A_175 = arith.index_cast %mul3A_173 : i32 to index
      %get3A_176 = tpu.vector_load %arg7[%get3A_175] {strides = array<i32>} : memref<1024xf32, #tpu.memory_space<vmem>>, vector<16xf32>,
      %get3A_177 = arith.constant 0 : i32
      %get3A_178 = arith.index_cast %get3A_177 : i32 to index
      %get3A_179 = arith.index_cast %mul3A_173 : i32 to index
      %get3A_180 = tpu.vector_load %arg9[%get3A_178, %get3A_179] {strides = array<i32>} : memref<16x1024xf32, #tpu.memory_space<vmem>>, vector<16xf32>,
      %mul3A_181 = arith.mulf %get3A_180, %get3A_176 : vector<16xf32>
      %get3A_182 = arith.constant 1 : i32
      %get3A_183 = arith.index_cast %get3A_182 : i32 to index
      %get3A_184 = arith.index_cast %mul3A_173 : i32 to index
      %get3A_185 = tpu.vector_load %arg9[%get3A_183, %get3A_184] {strides = array<i32>} : memref<16x1024xf32, #tpu.memory_space<vmem>>, vector<16xf32>,
      %mul3A_186 = arith.mulf %get3A_185, %get3A_176 : vector<16xf32>
      %get3A_187 = arith.constant 2 : i32
      %get3A_188 = arith.index_cast %get3A_187 : i32 to index
      %get3A_189 = arith.index_cast %mul3A_173 : i32 to index
      %get3A_190 = tpu.vector_load %arg9[%get3A_188, %get3A_189] {strides = array<i32>} : memref<16x1024xf32, #tpu.memory_space<vmem>>, vector<16xf32>,
      %mul3A_191 = arith.mulf %get3A_190, %get3A_176 : vector<16xf32>
      %get3A_192 = arith.constant 3 : i32
      %get3A_193 = arith.index_cast %get3A_192 : i32 to index
      %get3A_194 = arith.index_cast %mul3A_173 : i32 to index
      %get3A_195 = tpu.vector_load %arg9[%get3A_193, %get3A_194] {strides = array<i32>} : memref<16x1024xf32, #tpu.memory_space<vmem>>, vector<16xf32>,
      %mul3A_196 = arith.mulf %get3A_195, %get3A_176 : vector<16xf32>
      %get3A_197 = arith.constant 4 : i32
      %get3A_198 = arith.index_cast %get3A_197 : i32 to index
      %get3A_199 = arith.index_cast %mul3A_173 : i32 to index
      %get3A_200 = tpu.vector_load %arg9[%get3A_198, %get3A_199] {strides = array<i32>} : memref<16x1024xf32, #tpu.memory_space<vmem>>, vector<16xf32>,
      %mul3A_201 = arith.mulf %get3A_200, %get3A_176 : vector<16xf32>
      %get3A_202 = arith.constant 5 : i32
      %get3A_203 = arith.index_cast %get3A_202 : i32 to index
      %get3A_204 = arith.index_cast %mul3A_173 : i32 to index
      %get3A_205 = tpu.vector_load %arg9[%get3A_203, %get3A_204] {strides = array<i32>} : memref<16x1024xf32, #tpu.memory_space<vmem>>, vector<16xf32>,
      %mul3A_206 = arith.mulf %get3A_205, %get3A_176 : vector<16xf32>
      %get3A_207 = arith.constant 6 : i32
      %get3A_208 = arith.index_cast %get3A_207 : i32 to index
      %get3A_209 = arith.index_cast %mul3A_173 : i32 to index
      %get3A_210 = tpu.vector_load %arg9[%get3A_208, %get3A_209] {strides = array<i32>} : memref<16x1024xf32, #tpu.memory_space<vmem>>, vector<16xf32>,
      %mul3A_211 = arith.mulf %get3A_210, %get3A_176 : vector<16xf32>
      %get3A_212 = arith.constant 7 : i32
      %get3A_213 = arith.index_cast %get3A_212 : i32 to index
      %get3A_214 = arith.index_cast %mul3A_173 : i32 to index
      %get3A_215 = tpu.vector_load %arg9[%get3A_213, %get3A_214] {strides = array<i32>} : memref<16x1024xf32, #tpu.memory_space<vmem>>, vector<16xf32>,
      %mul3A_216 = arith.mulf %get3A_215, %get3A_176 : vector<16xf32>
      %get3A_217 = arith.constant 8 : i32
      %get3A_218 = arith.index_cast %get3A_217 : i32 to index
      %get3A_219 = arith.index_cast %mul3A_173 : i32 to index
      %get3A_220 = tpu.vector_load %arg9[%get3A_218, %get3A_219] {strides = array<i32>} : memref<16x1024xf32, #tpu.memory_space<vmem>>, vector<16xf32>,
      %mul3A_221 = arith.mulf %get3A_220, %get3A_176 : vector<16xf32>
      %get3A_222 = arith.constant 9 : i32
      %get3A_223 = arith.index_cast %get3A_222 : i32 to index
      %get3A_224 = arith.index_cast %mul3A_173 : i32 to index
      %get3A_225 = tpu.vector_load %arg9[%get3A_223, %get3A_224] {strides = array<i32>} : memref<16x1024xf32, #tpu.memory_space<vmem>>, vector<16xf32>,
      %mul3A_226 = arith.mulf %get3A_225, %get3A_176 : vector<16xf32>
      %get3A_227 = arith.constant 10 : i32
      %get3A_228 = arith.index_cast %get3A_227 : i32 to index
      %get3A_229 = arith.index_cast %mul3A_173 : i32 to index
      %get3A_230 = tpu.vector_load %arg9[%get3A_228, %get3A_229] {strides = array<i32>} : memref<16x1024xf32, #tpu.memory_space<vmem>>, vector<16xf32>,
      %mul3A_231 = arith.mulf %get3A_230, %get3A_176 : vector<16xf32>
      %get3A_232 = arith.constant 11 : i32
      %get3A_233 = arith.index_cast %get3A_232 : i32 to index
      %get3A_234 = arith.index_cast %mul3A_173 : i32 to index
      %get3A_235 = tpu.vector_load %arg9[%get3A_233, %get3A_234] {strides = array<i32>} : memref<16x1024xf32, #tpu.memory_space<vmem>>, vector<16xf32>,
      %mul3A_236 = arith.mulf %get3A_235, %get3A_176 : vector<16xf32>
      %get3A_237 = arith.constant 12 : i32
      %get3A_238 = arith.index_cast %get3A_237 : i32 to index
      %get3A_239 = arith.index_cast %mul3A_173 : i32 to index
      %get3A_240 = tpu.vector_load %arg9[%get3A_238, %get3A_239] {strides = array<i32>} : memref<16x1024xf32, #tpu.memory_space<vmem>>, vector<16xf32>,
      %mul3A_241 = arith.mulf %get3A_240, %get3A_176 : vector<16xf32>
      %get3A_242 = arith.constant 13 : i32
      %get3A_243 = arith.index_cast %get3A_242 : i32 to index
      %get3A_244 = arith.index_cast %mul3A_173 : i32 to index
      %get3A_245 = tpu.vector_load %arg9[%get3A_243, %get3A_244] {strides = array<i32>} : memref<16x1024xf32, #tpu.memory_space<vmem>>, vector<16xf32>,
      %mul3A_246 = arith.mulf %get3A_245, %get3A_176 : vector<16xf32>
      %get3A_247 = arith.constant 14 : i32
      %get3A_248 = arith.index_cast %get3A_247 : i32 to index
      %get3A_249 = arith.index_cast %mul3A_173 : i32 to index
      %get3A_250 = tpu.vector_load %arg9[%get3A_248, %get3A_249] {strides = array<i32>} : memref<16x1024xf32, #tpu.memory_space<vmem>>, vector<16xf32>,
      %mul3A_251 = arith.mulf %get3A_250, %get3A_176 : vector<16xf32>
      %get3A_252 = arith.constant 15 : i32
      %get3A_253 = arith.index_cast %get3A_252 : i32 to index
      %get3A_254 = arith.index_cast %mul3A_173 : i32 to index
      %get3A_255 = tpu.vector_load %arg9[%get3A_253, %get3A_254] {strides = array<i32>} : memref<16x1024xf32, #tpu.memory_space<vmem>>, vector<16xf32>,
      %mul3A_256 = arith.mulf %get3A_255, %get3A_176 : vector<16xf32>
      tpu.vector_store_idx %arg11[%broadcast_in_dim3A_5, %get3A_174], %mul3A_181 {add = true} : memref<16x1023xf32, #tpu.memory_space<vmem>>[vector<16xi32>, vector<16xi32>], vector<16xf32>,
      tpu.vector_store_idx %arg11[%broadcast_in_dim3A_7, %get3A_174], %mul3A_186 {add = true} : memref<16x1023xf32, #tpu.memory_space<vmem>>[vector<16xi32>, vector<16xi32>], vector<16xf32>,
      tpu.vector_store_idx %arg11[%broadcast_in_dim3A_9, %get3A_174], %mul3A_191 {add = true} : memref<16x1023xf32, #tpu.memory_space<vmem>>[vector<16xi32>, vector<16xi32>], vector<16xf32>,
      tpu.vector_store_idx %arg11[%broadcast_in_dim3A_11, %get3A_174], %mul3A_196 {add = true} : memref<16x1023xf32, #tpu.memory_space<vmem>>[vector<16xi32>, vector<16xi32>], vector<16xf32>,
      tpu.vector_store_idx %arg11[%broadcast_in_dim3A_13, %get3A_174], %mul3A_201 {add = true} : memref<16x1023xf32, #tpu.memory_space<vmem>>[vector<16xi32>, vector<16xi32>], vector<16xf32>,
      tpu.vector_store_idx %arg11[%broadcast_in_dim3A_15, %get3A_174], %mul3A_206 {add = true} : memref<16x1023xf32, #tpu.memory_space<vmem>>[vector<16xi32>, vector<16xi32>], vector<16xf32>,
      tpu.vector_store_idx %arg11[%broadcast_in_dim3A_17, %get3A_174], %mul3A_211 {add = true} : memref<16x1023xf32, #tpu.memory_space<vmem>>[vector<16xi32>, vector<16xi32>], vector<16xf32>,
      tpu.vector_store_idx %arg11[%broadcast_in_dim3A_19, %get3A_174], %mul3A_216 {add = true} : memref<16x1023xf32, #tpu.memory_space<vmem>>[vector<16xi32>, vector<16xi32>], vector<16xf32>,
      tpu.vector_store_idx %arg11[%broadcast_in_dim3A_21, %get3A_174], %mul3A_221 {add = true} : memref<16x1023xf32, #tpu.memory_space<vmem>>[vector<16xi32>, vector<16xi32>], vector<16xf32>,
      tpu.vector_store_idx %arg11[%broadcast_in_dim3A_23, %get3A_174], %mul3A_226 {add = true} : memref<16x1023xf32, #tpu.memory_space<vmem>>[vector<16xi32>, vector<16xi32>], vector<16xf32>,
      tpu.vector_store_idx %arg11[%broadcast_in_dim3A_25, %get3A_174], %mul3A_231 {add = true} : memref<16x1023xf32, #tpu.memory_space<vmem>>[vector<16xi32>, vector<16xi32>], vector<16xf32>,
      tpu.vector_store_idx %arg11[%broadcast_in_dim3A_27, %get3A_174], %mul3A_236 {add = true} : memref<16x1023xf32, #tpu.memory_space<vmem>>[vector<16xi32>, vector<16xi32>], vector<16xf32>,
      tpu.vector_store_idx %arg11[%broadcast_in_dim3A_29, %get3A_174], %mul3A_241 {add = true} : memref<16x1023xf32, #tpu.memory_space<vmem>>[vector<16xi32>, vector<16xi32>], vector<16xf32>,
      tpu.vector_store_idx %arg11[%broadcast_in_dim3A_31, %get3A_174], %mul3A_246 {add = true} : memref<16x1023xf32, #tpu.memory_space<vmem>>[vector<16xi32>, vector<16xi32>], vector<16xf32>,
      tpu.vector_store_idx %arg11[%broadcast_in_dim3A_33, %get3A_174], %mul3A_251 {add = true} : memref<16x1023xf32, #tpu.memory_space<vmem>>[vector<16xi32>, vector<16xi32>], vector<16xf32>,
      tpu.vector_store_idx %arg11[%broadcast_in_dim3A_35, %get3A_174], %mul3A_256 {add = true} : memref<16x1023xf32, #tpu.memory_space<vmem>>[vector<16xi32>, vector<16xi32>], vector<16xf32>,
      %scan3A_257 = arith.constant 0 : i32
      scf.yield %scan3A_257 : i32
    }
    %scan3A_93 = arith.constant 64 : i32
    %add3A_94 = arith.constant 16 : i32
    %add3A_95 = arith.addi %mul3A_3, %add3A_94 : i32
    %dma_start3A_96 = arith.constant 0 : i32
    %dma_start3A_97 = tpu.memref_slice %arg5[%add3A_95, %dma_start3A_96] : memref<8192x1023xf32, #tpu.memory_space<hbm>> -> memref<16x1023xf32, #tpu.memory_space<hbm>>
    %dma_start3A_98 = arith.constant 0 : i32
    %dma_start3A_99 = tpu.memref_slice %arg5[%add3A_95, %dma_start3A_98] : memref<8192x1023xf32, #tpu.memory_space<hbm>> -> memref<16x1023xf32, #tpu.memory_space<hbm>>
    tpu.enqueue_dma source(%arg11 : memref<16x1023xf32, #tpu.memory_space<vmem>>) target(%dma_start3A_99 : memref<16x1023xf32, #tpu.memory_space<hbm>>) target_semaphore(%arg15 : memref<!tpu.dma_semaphore, #tpu.memory_space<semaphore_mem>>)
    %add3A_100 = arith.constant 48 : i32
    %add3A_101 = arith.addi %mul3A_3, %add3A_100 : i32
    %dma_start3A_102 = arith.constant 0 : i32
    %dma_start3A_103 = tpu.memref_slice %arg2[%add3A_101, %dma_start3A_102] : memref<8192x1024xf32, #tpu.memory_space<hbm>> -> memref<16x1024xf32, #tpu.memory_space<hbm>>
    %dma_start3A_104 = arith.constant 0 : i32
    %dma_start3A_105 = tpu.memref_slice %arg2[%add3A_101, %dma_start3A_104] : memref<8192x1024xf32, #tpu.memory_space<hbm>> -> memref<16x1024xf32, #tpu.memory_space<hbm>>
    tpu.enqueue_dma source(%dma_start3A_105 : memref<16x1024xf32, #tpu.memory_space<hbm>>) target(%arg9 : memref<16x1024xf32, #tpu.memory_space<vmem>>) target_semaphore(%arg13 : memref<!tpu.dma_semaphore, #tpu.memory_space<semaphore_mem>>)
    %dma_wait3A_106 = arith.constant 0 : i32
    %dma_wait3A_107 = tpu.memref_slice %arg2[%add3A_78, %dma_wait3A_106] : memref<8192x1024xf32, #tpu.memory_space<hbm>> -> memref<16x1024xf32, #tpu.memory_space<hbm>>
    %dma_wait3A_108 = arith.constant 0 : i32
    %dma_wait3A_109 = tpu.memref_slice %arg2[%add3A_78, %dma_wait3A_108] : memref<8192x1024xf32, #tpu.memory_space<hbm>> -> memref<16x1024xf32, #tpu.memory_space<hbm>>
    tpu.wait_dma2 semaphore(%arg12 : memref<!tpu.dma_semaphore, #tpu.memory_space<semaphore_mem>>) src(%dma_wait3A_109 : memref<16x1024xf32, #tpu.memory_space<hbm>>) dst(%arg8 : memref<16x1024xf32, #tpu.memory_space<vmem>>)
    %dma_wait3A_110 = arith.constant 0 : i32
    %dma_wait3A_111 = tpu.memref_slice %arg5[%add3A_72, %dma_wait3A_110] : memref<8192x1023xf32, #tpu.memory_space<hbm>> -> memref<16x1023xf32, #tpu.memory_space<hbm>>
    %dma_wait3A_112 = arith.constant 0 : i32
    %dma_wait3A_113 = tpu.memref_slice %arg5[%add3A_72, %dma_wait3A_112] : memref<8192x1023xf32, #tpu.memory_space<hbm>> -> memref<16x1023xf32, #tpu.memory_space<hbm>>
    tpu.wait_dma2 semaphore(%arg14 : memref<!tpu.dma_semaphore, #tpu.memory_space<semaphore_mem>>) src(%arg10 : memref<16x1023xf32, #tpu.memory_space<vmem>>) dst(%dma_wait3A_113 : memref<16x1023xf32, #tpu.memory_space<hbm>>)
    %scan3A_114 = arith.constant 0 : i32
    %scan3A_115 = arith.constant 0 : i32
    %scan3A_116 = arith.constant 63 : i32
    %scan3A_117 = arith.addi %scan3A_115, %scan3A_116 : i32
    %scan3A_118 = arith.constant 1 : i32
    %scan3A_119 = scf.for %scan3A_170 = %scan3A_115 to %scan3A_117 step %scan3A_118 iter_args(%scan3A_171 = %scan3A_114) -> (i32)  : i32 {
      %mul3A_172 = arith.constant 16 : i32
      %mul3A_173 = arith.muli %scan3A_170, %mul3A_172 : i32
      %swap3A = arith.constant 0 : i32
      %swap3A_174 = arith.index_cast %swap3A : i32 to index
      %swap3A_175 = arith.index_cast %mul3A_173 : i32 to index
      %swap3A_176 = tpu.vector_load %arg10[%swap3A_174, %swap3A_175] {strides = array<i32>} : memref<16x1023xf32, #tpu.memory_space<vmem>>, vector<16xf32>,
      tpu.vector_store %arg10[%swap3A_174, %swap3A_175], %broadcast_in_dim3A_1 {strides = array<i32>} : memref<16x1023xf32, #tpu.memory_space<vmem>>, vector<16xf32>,
      %mul3A_177 = arith.constant 16 : i32
      %mul3A_178 = arith.muli %scan3A_170, %mul3A_177 : i32
      %swap3A_179 = arith.constant 1 : i32
      %swap3A_180 = arith.index_cast %swap3A_179 : i32 to index
      %swap3A_181 = arith.index_cast %mul3A_178 : i32 to index
      %swap3A_182 = tpu.vector_load %arg10[%swap3A_180, %swap3A_181] {strides = array<i32>} : memref<16x1023xf32, #tpu.memory_space<vmem>>, vector<16xf32>,
      tpu.vector_store %arg10[%swap3A_180, %swap3A_181], %broadcast_in_dim3A_1 {strides = array<i32>} : memref<16x1023xf32, #tpu.memory_space<vmem>>, vector<16xf32>,
      %mul3A_183 = arith.constant 16 : i32
      %mul3A_184 = arith.muli %scan3A_170, %mul3A_183 : i32
      %swap3A_185 = arith.constant 2 : i32
      %swap3A_186 = arith.index_cast %swap3A_185 : i32 to index
      %swap3A_187 = arith.index_cast %mul3A_184 : i32 to index
      %swap3A_188 = tpu.vector_load %arg10[%swap3A_186, %swap3A_187] {strides = array<i32>} : memref<16x1023xf32, #tpu.memory_space<vmem>>, vector<16xf32>,
      tpu.vector_store %arg10[%swap3A_186, %swap3A_187], %broadcast_in_dim3A_1 {strides = array<i32>} : memref<16x1023xf32, #tpu.memory_space<vmem>>, vector<16xf32>,
      %mul3A_189 = arith.constant 16 : i32
      %mul3A_190 = arith.muli %scan3A_170, %mul3A_189 : i32
      %swap3A_191 = arith.constant 3 : i32
      %swap3A_192 = arith.index_cast %swap3A_191 : i32 to index
      %swap3A_193 = arith.index_cast %mul3A_190 : i32 to index
      %swap3A_194 = tpu.vector_load %arg10[%swap3A_192, %swap3A_193] {strides = array<i32>} : memref<16x1023xf32, #tpu.memory_space<vmem>>, vector<16xf32>,
      tpu.vector_store %arg10[%swap3A_192, %swap3A_193], %broadcast_in_dim3A_1 {strides = array<i32>} : memref<16x1023xf32, #tpu.memory_space<vmem>>, vector<16xf32>,
      %mul3A_195 = arith.constant 16 : i32
      %mul3A_196 = arith.muli %scan3A_170, %mul3A_195 : i32
      %swap3A_197 = arith.constant 4 : i32
      %swap3A_198 = arith.index_cast %swap3A_197 : i32 to index
      %swap3A_199 = arith.index_cast %mul3A_196 : i32 to index
      %swap3A_200 = tpu.vector_load %arg10[%swap3A_198, %swap3A_199] {strides = array<i32>} : memref<16x1023xf32, #tpu.memory_space<vmem>>, vector<16xf32>,
      tpu.vector_store %arg10[%swap3A_198, %swap3A_199], %broadcast_in_dim3A_1 {strides = array<i32>} : memref<16x1023xf32, #tpu.memory_space<vmem>>, vector<16xf32>,
      %mul3A_201 = arith.constant 16 : i32
      %mul3A_202 = arith.muli %scan3A_170, %mul3A_201 : i32
      %swap3A_203 = arith.constant 5 : i32
      %swap3A_204 = arith.index_cast %swap3A_203 : i32 to index
      %swap3A_205 = arith.index_cast %mul3A_202 : i32 to index
      %swap3A_206 = tpu.vector_load %arg10[%swap3A_204, %swap3A_205] {strides = array<i32>} : memref<16x1023xf32, #tpu.memory_space<vmem>>, vector<16xf32>,
      tpu.vector_store %arg10[%swap3A_204, %swap3A_205], %broadcast_in_dim3A_1 {strides = array<i32>} : memref<16x1023xf32, #tpu.memory_space<vmem>>, vector<16xf32>,
      %mul3A_207 = arith.constant 16 : i32
      %mul3A_208 = arith.muli %scan3A_170, %mul3A_207 : i32
      %swap3A_209 = arith.constant 6 : i32
      %swap3A_210 = arith.index_cast %swap3A_209 : i32 to index
      %swap3A_211 = arith.index_cast %mul3A_208 : i32 to index
      %swap3A_212 = tpu.vector_load %arg10[%swap3A_210, %swap3A_211] {strides = array<i32>} : memref<16x1023xf32, #tpu.memory_space<vmem>>, vector<16xf32>,
      tpu.vector_store %arg10[%swap3A_210, %swap3A_211], %broadcast_in_dim3A_1 {strides = array<i32>} : memref<16x1023xf32, #tpu.memory_space<vmem>>, vector<16xf32>,
      %mul3A_213 = arith.constant 16 : i32
      %mul3A_214 = arith.muli %scan3A_170, %mul3A_213 : i32
      %swap3A_215 = arith.constant 7 : i32
      %swap3A_216 = arith.index_cast %swap3A_215 : i32 to index
      %swap3A_217 = arith.index_cast %mul3A_214 : i32 to index
      %swap3A_218 = tpu.vector_load %arg10[%swap3A_216, %swap3A_217] {strides = array<i32>} : memref<16x1023xf32, #tpu.memory_space<vmem>>, vector<16xf32>,
      tpu.vector_store %arg10[%swap3A_216, %swap3A_217], %broadcast_in_dim3A_1 {strides = array<i32>} : memref<16x1023xf32, #tpu.memory_space<vmem>>, vector<16xf32>,
      %mul3A_219 = arith.constant 16 : i32
      %mul3A_220 = arith.muli %scan3A_170, %mul3A_219 : i32
      %swap3A_221 = arith.constant 8 : i32
      %swap3A_222 = arith.index_cast %swap3A_221 : i32 to index
      %swap3A_223 = arith.index_cast %mul3A_220 : i32 to index
      %swap3A_224 = tpu.vector_load %arg10[%swap3A_222, %swap3A_223] {strides = array<i32>} : memref<16x1023xf32, #tpu.memory_space<vmem>>, vector<16xf32>,
      tpu.vector_store %arg10[%swap3A_222, %swap3A_223], %broadcast_in_dim3A_1 {strides = array<i32>} : memref<16x1023xf32, #tpu.memory_space<vmem>>, vector<16xf32>,
      %mul3A_225 = arith.constant 16 : i32
      %mul3A_226 = arith.muli %scan3A_170, %mul3A_225 : i32
      %swap3A_227 = arith.constant 9 : i32
      %swap3A_228 = arith.index_cast %swap3A_227 : i32 to index
      %swap3A_229 = arith.index_cast %mul3A_226 : i32 to index
      %swap3A_230 = tpu.vector_load %arg10[%swap3A_228, %swap3A_229] {strides = array<i32>} : memref<16x1023xf32, #tpu.memory_space<vmem>>, vector<16xf32>,
      tpu.vector_store %arg10[%swap3A_228, %swap3A_229], %broadcast_in_dim3A_1 {strides = array<i32>} : memref<16x1023xf32, #tpu.memory_space<vmem>>, vector<16xf32>,
      %mul3A_231 = arith.constant 16 : i32
      %mul3A_232 = arith.muli %scan3A_170, %mul3A_231 : i32
      %swap3A_233 = arith.constant 10 : i32
      %swap3A_234 = arith.index_cast %swap3A_233 : i32 to index
      %swap3A_235 = arith.index_cast %mul3A_232 : i32 to index
      %swap3A_236 = tpu.vector_load %arg10[%swap3A_234, %swap3A_235] {strides = array<i32>} : memref<16x1023xf32, #tpu.memory_space<vmem>>, vector<16xf32>,
      tpu.vector_store %arg10[%swap3A_234, %swap3A_235], %broadcast_in_dim3A_1 {strides = array<i32>} : memref<16x1023xf32, #tpu.memory_space<vmem>>, vector<16xf32>,
      %mul3A_237 = arith.constant 16 : i32
      %mul3A_238 = arith.muli %scan3A_170, %mul3A_237 : i32
      %swap3A_239 = arith.constant 11 : i32
      %swap3A_240 = arith.index_cast %swap3A_239 : i32 to index
      %swap3A_241 = arith.index_cast %mul3A_238 : i32 to index
      %swap3A_242 = tpu.vector_load %arg10[%swap3A_240, %swap3A_241] {strides = array<i32>} : memref<16x1023xf32, #tpu.memory_space<vmem>>, vector<16xf32>,
      tpu.vector_store %arg10[%swap3A_240, %swap3A_241], %broadcast_in_dim3A_1 {strides = array<i32>} : memref<16x1023xf32, #tpu.memory_space<vmem>>, vector<16xf32>,
      %mul3A_243 = arith.constant 16 : i32
      %mul3A_244 = arith.muli %scan3A_170, %mul3A_243 : i32
      %swap3A_245 = arith.constant 12 : i32
      %swap3A_246 = arith.index_cast %swap3A_245 : i32 to index
      %swap3A_247 = arith.index_cast %mul3A_244 : i32 to index
      %swap3A_248 = tpu.vector_load %arg10[%swap3A_246, %swap3A_247] {strides = array<i32>} : memref<16x1023xf32, #tpu.memory_space<vmem>>, vector<16xf32>,
      tpu.vector_store %arg10[%swap3A_246, %swap3A_247], %broadcast_in_dim3A_1 {strides = array<i32>} : memref<16x1023xf32, #tpu.memory_space<vmem>>, vector<16xf32>,
      %mul3A_249 = arith.constant 16 : i32
      %mul3A_250 = arith.muli %scan3A_170, %mul3A_249 : i32
      %swap3A_251 = arith.constant 13 : i32
      %swap3A_252 = arith.index_cast %swap3A_251 : i32 to index
      %swap3A_253 = arith.index_cast %mul3A_250 : i32 to index
      %swap3A_254 = tpu.vector_load %arg10[%swap3A_252, %swap3A_253] {strides = array<i32>} : memref<16x1023xf32, #tpu.memory_space<vmem>>, vector<16xf32>,
      tpu.vector_store %arg10[%swap3A_252, %swap3A_253], %broadcast_in_dim3A_1 {strides = array<i32>} : memref<16x1023xf32, #tpu.memory_space<vmem>>, vector<16xf32>,
      %mul3A_255 = arith.constant 16 : i32
      %mul3A_256 = arith.muli %scan3A_170, %mul3A_255 : i32
      %swap3A_257 = arith.constant 14 : i32
      %swap3A_258 = arith.index_cast %swap3A_257 : i32 to index
      %swap3A_259 = arith.index_cast %mul3A_256 : i32 to index
      %swap3A_260 = tpu.vector_load %arg10[%swap3A_258, %swap3A_259] {strides = array<i32>} : memref<16x1023xf32, #tpu.memory_space<vmem>>, vector<16xf32>,
      tpu.vector_store %arg10[%swap3A_258, %swap3A_259], %broadcast_in_dim3A_1 {strides = array<i32>} : memref<16x1023xf32, #tpu.memory_space<vmem>>, vector<16xf32>,
      %mul3A_261 = arith.constant 16 : i32
      %mul3A_262 = arith.muli %scan3A_170, %mul3A_261 : i32
      %swap3A_263 = arith.constant 15 : i32
      %swap3A_264 = arith.index_cast %swap3A_263 : i32 to index
      %swap3A_265 = arith.index_cast %mul3A_262 : i32 to index
      %swap3A_266 = tpu.vector_load %arg10[%swap3A_264, %swap3A_265] {strides = array<i32>} : memref<16x1023xf32, #tpu.memory_space<vmem>>, vector<16xf32>,
      tpu.vector_store %arg10[%swap3A_264, %swap3A_265], %broadcast_in_dim3A_1 {strides = array<i32>} : memref<16x1023xf32, #tpu.memory_space<vmem>>, vector<16xf32>,
      %scan3A_267 = arith.constant 0 : i32
      scf.yield %scan3A_267 : i32
    }
    %scan3A_120 = arith.constant 63 : i32
    tpu.vector_store_idx %arg10[%broadcast_in_dim3A_5, %add3A_38], %broadcast_in_dim3A_1 : memref<16x1023xf32, #tpu.memory_space<vmem>>[vector<16xi32>, vector<16xi32>], vector<16xf32>,
    tpu.vector_store_idx %arg10[%broadcast_in_dim3A_7, %add3A_38], %broadcast_in_dim3A_1 : memref<16x1023xf32, #tpu.memory_space<vmem>>[vector<16xi32>, vector<16xi32>], vector<16xf32>,
    tpu.vector_store_idx %arg10[%broadcast_in_dim3A_9, %add3A_38], %broadcast_in_dim3A_1 : memref<16x1023xf32, #tpu.memory_space<vmem>>[vector<16xi32>, vector<16xi32>], vector<16xf32>,
    tpu.vector_store_idx %arg10[%broadcast_in_dim3A_11, %add3A_38], %broadcast_in_dim3A_1 : memref<16x1023xf32, #tpu.memory_space<vmem>>[vector<16xi32>, vector<16xi32>], vector<16xf32>,
    tpu.vector_store_idx %arg10[%broadcast_in_dim3A_13, %add3A_38], %broadcast_in_dim3A_1 : memref<16x1023xf32, #tpu.memory_space<vmem>>[vector<16xi32>, vector<16xi32>], vector<16xf32>,
    tpu.vector_store_idx %arg10[%broadcast_in_dim3A_15, %add3A_38], %broadcast_in_dim3A_1 : memref<16x1023xf32, #tpu.memory_space<vmem>>[vector<16xi32>, vector<16xi32>], vector<16xf32>,
    tpu.vector_store_idx %arg10[%broadcast_in_dim3A_17, %add3A_38], %broadcast_in_dim3A_1 : memref<16x1023xf32, #tpu.memory_space<vmem>>[vector<16xi32>, vector<16xi32>], vector<16xf32>,
    tpu.vector_store_idx %arg10[%broadcast_in_dim3A_19, %add3A_38], %broadcast_in_dim3A_1 : memref<16x1023xf32, #tpu.memory_space<vmem>>[vector<16xi32>, vector<16xi32>], vector<16xf32>,
    tpu.vector_store_idx %arg10[%broadcast_in_dim3A_21, %add3A_38], %broadcast_in_dim3A_1 : memref<16x1023xf32, #tpu.memory_space<vmem>>[vector<16xi32>, vector<16xi32>], vector<16xf32>,
    tpu.vector_store_idx %arg10[%broadcast_in_dim3A_23, %add3A_38], %broadcast_in_dim3A_1 : memref<16x1023xf32, #tpu.memory_space<vmem>>[vector<16xi32>, vector<16xi32>], vector<16xf32>,
    tpu.vector_store_idx %arg10[%broadcast_in_dim3A_25, %add3A_38], %broadcast_in_dim3A_1 : memref<16x1023xf32, #tpu.memory_space<vmem>>[vector<16xi32>, vector<16xi32>], vector<16xf32>,
    tpu.vector_store_idx %arg10[%broadcast_in_dim3A_27, %add3A_38], %broadcast_in_dim3A_1 : memref<16x1023xf32, #tpu.memory_space<vmem>>[vector<16xi32>, vector<16xi32>], vector<16xf32>,
    tpu.vector_store_idx %arg10[%broadcast_in_dim3A_29, %add3A_38], %broadcast_in_dim3A_1 : memref<16x1023xf32, #tpu.memory_space<vmem>>[vector<16xi32>, vector<16xi32>], vector<16xf32>,
    tpu.vector_store_idx %arg10[%broadcast_in_dim3A_31, %add3A_38], %broadcast_in_dim3A_1 : memref<16x1023xf32, #tpu.memory_space<vmem>>[vector<16xi32>, vector<16xi32>], vector<16xf32>,
    tpu.vector_store_idx %arg10[%broadcast_in_dim3A_33, %add3A_38], %broadcast_in_dim3A_1 : memref<16x1023xf32, #tpu.memory_space<vmem>>[vector<16xi32>, vector<16xi32>], vector<16xf32>,
    tpu.vector_store_idx %arg10[%broadcast_in_dim3A_35, %add3A_38], %broadcast_in_dim3A_1 : memref<16x1023xf32, #tpu.memory_space<vmem>>[vector<16xi32>, vector<16xi32>], vector<16xf32>,
    %scan3A_121 = arith.constant 0 : i32
    %scan3A_122 = arith.constant 0 : i32
    %scan3A_123 = arith.constant 64 : i32
    %scan3A_124 = arith.addi %scan3A_122, %scan3A_123 : i32
    %scan3A_125 = arith.constant 1 : i32
    %scan3A_126 = scf.for %scan3A_170 = %scan3A_122 to %scan3A_124 step %scan3A_125 iter_args(%scan3A_171 = %scan3A_121) -> (i32)  : i32 {
      %mul3A_172 = arith.constant 16 : i32
      %mul3A_173 = arith.muli %scan3A_170, %mul3A_172 : i32
      %get3A = arith.index_cast %mul3A_173 : i32 to index
      %get3A_174 = tpu.vector_load %arg6[%get3A] {strides = array<i32>} : memref<1024xi32, #tpu.memory_space<vmem>>, vector<16xi32>,
      %get3A_175 = arith.index_cast %mul3A_173 : i32 to index
      %get3A_176 = tpu.vector_load %arg7[%get3A_175] {strides = array<i32>} : memref<1024xf32, #tpu.memory_space<vmem>>, vector<16xf32>,
      %get3A_177 = arith.constant 0 : i32
      %get3A_178 = arith.index_cast %get3A_177 : i32 to index
      %get3A_179 = arith.index_cast %mul3A_173 : i32 to index
      %get3A_180 = tpu.vector_load %arg8[%get3A_178, %get3A_179] {strides = array<i32>} : memref<16x1024xf32, #tpu.memory_space<vmem>>, vector<16xf32>,
      %mul3A_181 = arith.mulf %get3A_180, %get3A_176 : vector<16xf32>
      %get3A_182 = arith.constant 1 : i32
      %get3A_183 = arith.index_cast %get3A_182 : i32 to index
      %get3A_184 = arith.index_cast %mul3A_173 : i32 to index
      %get3A_185 = tpu.vector_load %arg8[%get3A_183, %get3A_184] {strides = array<i32>} : memref<16x1024xf32, #tpu.memory_space<vmem>>, vector<16xf32>,
      %mul3A_186 = arith.mulf %get3A_185, %get3A_176 : vector<16xf32>
      %get3A_187 = arith.constant 2 : i32
      %get3A_188 = arith.index_cast %get3A_187 : i32 to index
      %get3A_189 = arith.index_cast %mul3A_173 : i32 to index
      %get3A_190 = tpu.vector_load %arg8[%get3A_188, %get3A_189] {strides = array<i32>} : memref<16x1024xf32, #tpu.memory_space<vmem>>, vector<16xf32>,
      %mul3A_191 = arith.mulf %get3A_190, %get3A_176 : vector<16xf32>
      %get3A_192 = arith.constant 3 : i32
      %get3A_193 = arith.index_cast %get3A_192 : i32 to index
      %get3A_194 = arith.index_cast %mul3A_173 : i32 to index
      %get3A_195 = tpu.vector_load %arg8[%get3A_193, %get3A_194] {strides = array<i32>} : memref<16x1024xf32, #tpu.memory_space<vmem>>, vector<16xf32>,
      %mul3A_196 = arith.mulf %get3A_195, %get3A_176 : vector<16xf32>
      %get3A_197 = arith.constant 4 : i32
      %get3A_198 = arith.index_cast %get3A_197 : i32 to index
      %get3A_199 = arith.index_cast %mul3A_173 : i32 to index
      %get3A_200 = tpu.vector_load %arg8[%get3A_198, %get3A_199] {strides = array<i32>} : memref<16x1024xf32, #tpu.memory_space<vmem>>, vector<16xf32>,
      %mul3A_201 = arith.mulf %get3A_200, %get3A_176 : vector<16xf32>
      %get3A_202 = arith.constant 5 : i32
      %get3A_203 = arith.index_cast %get3A_202 : i32 to index
      %get3A_204 = arith.index_cast %mul3A_173 : i32 to index
      %get3A_205 = tpu.vector_load %arg8[%get3A_203, %get3A_204] {strides = array<i32>} : memref<16x1024xf32, #tpu.memory_space<vmem>>, vector<16xf32>,
      %mul3A_206 = arith.mulf %get3A_205, %get3A_176 : vector<16xf32>
      %get3A_207 = arith.constant 6 : i32
      %get3A_208 = arith.index_cast %get3A_207 : i32 to index
      %get3A_209 = arith.index_cast %mul3A_173 : i32 to index
      %get3A_210 = tpu.vector_load %arg8[%get3A_208, %get3A_209] {strides = array<i32>} : memref<16x1024xf32, #tpu.memory_space<vmem>>, vector<16xf32>,
      %mul3A_211 = arith.mulf %get3A_210, %get3A_176 : vector<16xf32>
      %get3A_212 = arith.constant 7 : i32
      %get3A_213 = arith.index_cast %get3A_212 : i32 to index
      %get3A_214 = arith.index_cast %mul3A_173 : i32 to index
      %get3A_215 = tpu.vector_load %arg8[%get3A_213, %get3A_214] {strides = array<i32>} : memref<16x1024xf32, #tpu.memory_space<vmem>>, vector<16xf32>,
      %mul3A_216 = arith.mulf %get3A_215, %get3A_176 : vector<16xf32>
      %get3A_217 = arith.constant 8 : i32
      %get3A_218 = arith.index_cast %get3A_217 : i32 to index
      %get3A_219 = arith.index_cast %mul3A_173 : i32 to index
      %get3A_220 = tpu.vector_load %arg8[%get3A_218, %get3A_219] {strides = array<i32>} : memref<16x1024xf32, #tpu.memory_space<vmem>>, vector<16xf32>,
      %mul3A_221 = arith.mulf %get3A_220, %get3A_176 : vector<16xf32>
      %get3A_222 = arith.constant 9 : i32
      %get3A_223 = arith.index_cast %get3A_222 : i32 to index
      %get3A_224 = arith.index_cast %mul3A_173 : i32 to index
      %get3A_225 = tpu.vector_load %arg8[%get3A_223, %get3A_224] {strides = array<i32>} : memref<16x1024xf32, #tpu.memory_space<vmem>>, vector<16xf32>,
      %mul3A_226 = arith.mulf %get3A_225, %get3A_176 : vector<16xf32>
      %get3A_227 = arith.constant 10 : i32
      %get3A_228 = arith.index_cast %get3A_227 : i32 to index
      %get3A_229 = arith.index_cast %mul3A_173 : i32 to index
      %get3A_230 = tpu.vector_load %arg8[%get3A_228, %get3A_229] {strides = array<i32>} : memref<16x1024xf32, #tpu.memory_space<vmem>>, vector<16xf32>,
      %mul3A_231 = arith.mulf %get3A_230, %get3A_176 : vector<16xf32>
      %get3A_232 = arith.constant 11 : i32
      %get3A_233 = arith.index_cast %get3A_232 : i32 to index
      %get3A_234 = arith.index_cast %mul3A_173 : i32 to index
      %get3A_235 = tpu.vector_load %arg8[%get3A_233, %get3A_234] {strides = array<i32>} : memref<16x1024xf32, #tpu.memory_space<vmem>>, vector<16xf32>,
      %mul3A_236 = arith.mulf %get3A_235, %get3A_176 : vector<16xf32>
      %get3A_237 = arith.constant 12 : i32
      %get3A_238 = arith.index_cast %get3A_237 : i32 to index
      %get3A_239 = arith.index_cast %mul3A_173 : i32 to index
      %get3A_240 = tpu.vector_load %arg8[%get3A_238, %get3A_239] {strides = array<i32>} : memref<16x1024xf32, #tpu.memory_space<vmem>>, vector<16xf32>,
      %mul3A_241 = arith.mulf %get3A_240, %get3A_176 : vector<16xf32>
      %get3A_242 = arith.constant 13 : i32
      %get3A_243 = arith.index_cast %get3A_242 : i32 to index
      %get3A_244 = arith.index_cast %mul3A_173 : i32 to index
      %get3A_245 = tpu.vector_load %arg8[%get3A_243, %get3A_244] {strides = array<i32>} : memref<16x1024xf32, #tpu.memory_space<vmem>>, vector<16xf32>,
      %mul3A_246 = arith.mulf %get3A_245, %get3A_176 : vector<16xf32>
      %get3A_247 = arith.constant 14 : i32
      %get3A_248 = arith.index_cast %get3A_247 : i32 to index
      %get3A_249 = arith.index_cast %mul3A_173 : i32 to index
      %get3A_250 = tpu.vector_load %arg8[%get3A_248, %get3A_249] {strides = array<i32>} : memref<16x1024xf32, #tpu.memory_space<vmem>>, vector<16xf32>,
      %mul3A_251 = arith.mulf %get3A_250, %get3A_176 : vector<16xf32>
      %get3A_252 = arith.constant 15 : i32
      %get3A_253 = arith.index_cast %get3A_252 : i32 to index
      %get3A_254 = arith.index_cast %mul3A_173 : i32 to index
      %get3A_255 = tpu.vector_load %arg8[%get3A_253, %get3A_254] {strides = array<i32>} : memref<16x1024xf32, #tpu.memory_space<vmem>>, vector<16xf32>,
      %mul3A_256 = arith.mulf %get3A_255, %get3A_176 : vector<16xf32>
      tpu.vector_store_idx %arg10[%broadcast_in_dim3A_5, %get3A_174], %mul3A_181 {add = true} : memref<16x1023xf32, #tpu.memory_space<vmem>>[vector<16xi32>, vector<16xi32>], vector<16xf32>,
      tpu.vector_store_idx %arg10[%broadcast_in_dim3A_7, %get3A_174], %mul3A_186 {add = true} : memref<16x1023xf32, #tpu.memory_space<vmem>>[vector<16xi32>, vector<16xi32>], vector<16xf32>,
      tpu.vector_store_idx %arg10[%broadcast_in_dim3A_9, %get3A_174], %mul3A_191 {add = true} : memref<16x1023xf32, #tpu.memory_space<vmem>>[vector<16xi32>, vector<16xi32>], vector<16xf32>,
      tpu.vector_store_idx %arg10[%broadcast_in_dim3A_11, %get3A_174], %mul3A_196 {add = true} : memref<16x1023xf32, #tpu.memory_space<vmem>>[vector<16xi32>, vector<16xi32>], vector<16xf32>,
      tpu.vector_store_idx %arg10[%broadcast_in_dim3A_13, %get3A_174], %mul3A_201 {add = true} : memref<16x1023xf32, #tpu.memory_space<vmem>>[vector<16xi32>, vector<16xi32>], vector<16xf32>,
      tpu.vector_store_idx %arg10[%broadcast_in_dim3A_15, %get3A_174], %mul3A_206 {add = true} : memref<16x1023xf32, #tpu.memory_space<vmem>>[vector<16xi32>, vector<16xi32>], vector<16xf32>,
      tpu.vector_store_idx %arg10[%broadcast_in_dim3A_17, %get3A_174], %mul3A_211 {add = true} : memref<16x1023xf32, #tpu.memory_space<vmem>>[vector<16xi32>, vector<16xi32>], vector<16xf32>,
      tpu.vector_store_idx %arg10[%broadcast_in_dim3A_19, %get3A_174], %mul3A_216 {add = true} : memref<16x1023xf32, #tpu.memory_space<vmem>>[vector<16xi32>, vector<16xi32>], vector<16xf32>,
      tpu.vector_store_idx %arg10[%broadcast_in_dim3A_21, %get3A_174], %mul3A_221 {add = true} : memref<16x1023xf32, #tpu.memory_space<vmem>>[vector<16xi32>, vector<16xi32>], vector<16xf32>,
      tpu.vector_store_idx %arg10[%broadcast_in_dim3A_23, %get3A_174], %mul3A_226 {add = true} : memref<16x1023xf32, #tpu.memory_space<vmem>>[vector<16xi32>, vector<16xi32>], vector<16xf32>,
      tpu.vector_store_idx %arg10[%broadcast_in_dim3A_25, %get3A_174], %mul3A_231 {add = true} : memref<16x1023xf32, #tpu.memory_space<vmem>>[vector<16xi32>, vector<16xi32>], vector<16xf32>,
      tpu.vector_store_idx %arg10[%broadcast_in_dim3A_27, %get3A_174], %mul3A_236 {add = true} : memref<16x1023xf32, #tpu.memory_space<vmem>>[vector<16xi32>, vector<16xi32>], vector<16xf32>,
      tpu.vector_store_idx %arg10[%broadcast_in_dim3A_29, %get3A_174], %mul3A_241 {add = true} : memref<16x1023xf32, #tpu.memory_space<vmem>>[vector<16xi32>, vector<16xi32>], vector<16xf32>,
      tpu.vector_store_idx %arg10[%broadcast_in_dim3A_31, %get3A_174], %mul3A_246 {add = true} : memref<16x1023xf32, #tpu.memory_space<vmem>>[vector<16xi32>, vector<16xi32>], vector<16xf32>,
      tpu.vector_store_idx %arg10[%broadcast_in_dim3A_33, %get3A_174], %mul3A_251 {add = true} : memref<16x1023xf32, #tpu.memory_space<vmem>>[vector<16xi32>, vector<16xi32>], vector<16xf32>,
      tpu.vector_store_idx %arg10[%broadcast_in_dim3A_35, %get3A_174], %mul3A_256 {add = true} : memref<16x1023xf32, #tpu.memory_space<vmem>>[vector<16xi32>, vector<16xi32>], vector<16xf32>,
      %scan3A_257 = arith.constant 0 : i32
      scf.yield %scan3A_257 : i32
    }
    %scan3A_127 = arith.constant 64 : i32
    %add3A_128 = arith.constant 32 : i32
    %add3A_129 = arith.addi %mul3A_3, %add3A_128 : i32
    %dma_start3A_130 = arith.constant 0 : i32
    %dma_start3A_131 = tpu.memref_slice %arg5[%add3A_129, %dma_start3A_130] : memref<8192x1023xf32, #tpu.memory_space<hbm>> -> memref<16x1023xf32, #tpu.memory_space<hbm>>
    %dma_start3A_132 = arith.constant 0 : i32
    %dma_start3A_133 = tpu.memref_slice %arg5[%add3A_129, %dma_start3A_132] : memref<8192x1023xf32, #tpu.memory_space<hbm>> -> memref<16x1023xf32, #tpu.memory_space<hbm>>
    tpu.enqueue_dma source(%arg10 : memref<16x1023xf32, #tpu.memory_space<vmem>>) target(%dma_start3A_133 : memref<16x1023xf32, #tpu.memory_space<hbm>>) target_semaphore(%arg14 : memref<!tpu.dma_semaphore, #tpu.memory_space<semaphore_mem>>)
    %dma_wait3A_134 = arith.constant 0 : i32
    %dma_wait3A_135 = tpu.memref_slice %arg2[%add3A_101, %dma_wait3A_134] : memref<8192x1024xf32, #tpu.memory_space<hbm>> -> memref<16x1024xf32, #tpu.memory_space<hbm>>
    %dma_wait3A_136 = arith.constant 0 : i32
    %dma_wait3A_137 = tpu.memref_slice %arg2[%add3A_101, %dma_wait3A_136] : memref<8192x1024xf32, #tpu.memory_space<hbm>> -> memref<16x1024xf32, #tpu.memory_space<hbm>>
    tpu.wait_dma2 semaphore(%arg13 : memref<!tpu.dma_semaphore, #tpu.memory_space<semaphore_mem>>) src(%dma_wait3A_137 : memref<16x1024xf32, #tpu.memory_space<hbm>>) dst(%arg9 : memref<16x1024xf32, #tpu.memory_space<vmem>>)
    %dma_wait3A_138 = arith.constant 0 : i32
    %dma_wait3A_139 = tpu.memref_slice %arg5[%add3A_95, %dma_wait3A_138] : memref<8192x1023xf32, #tpu.memory_space<hbm>> -> memref<16x1023xf32, #tpu.memory_space<hbm>>
    %dma_wait3A_140 = arith.constant 0 : i32
    %dma_wait3A_141 = tpu.memref_slice %arg5[%add3A_95, %dma_wait3A_140] : memref<8192x1023xf32, #tpu.memory_space<hbm>> -> memref<16x1023xf32, #tpu.memory_space<hbm>>
    tpu.wait_dma2 semaphore(%arg15 : memref<!tpu.dma_semaphore, #tpu.memory_space<semaphore_mem>>) src(%arg11 : memref<16x1023xf32, #tpu.memory_space<vmem>>) dst(%dma_wait3A_141 : memref<16x1023xf32, #tpu.memory_space<hbm>>)
    %scan3A_142 = arith.constant 0 : i32
    %scan3A_143 = arith.constant 0 : i32
    %scan3A_144 = arith.constant 63 : i32
    %scan3A_145 = arith.addi %scan3A_143, %scan3A_144 : i32
    %scan3A_146 = arith.constant 1 : i32
    %scan3A_147 = scf.for %scan3A_170 = %scan3A_143 to %scan3A_145 step %scan3A_146 iter_args(%scan3A_171 = %scan3A_142) -> (i32)  : i32 {
      %mul3A_172 = arith.constant 16 : i32
      %mul3A_173 = arith.muli %scan3A_170, %mul3A_172 : i32
      %swap3A = arith.constant 0 : i32
      %swap3A_174 = arith.index_cast %swap3A : i32 to index
      %swap3A_175 = arith.index_cast %mul3A_173 : i32 to index
      %swap3A_176 = tpu.vector_load %arg11[%swap3A_174, %swap3A_175] {strides = array<i32>} : memref<16x1023xf32, #tpu.memory_space<vmem>>, vector<16xf32>,
      tpu.vector_store %arg11[%swap3A_174, %swap3A_175], %broadcast_in_dim3A_1 {strides = array<i32>} : memref<16x1023xf32, #tpu.memory_space<vmem>>, vector<16xf32>,
      %mul3A_177 = arith.constant 16 : i32
      %mul3A_178 = arith.muli %scan3A_170, %mul3A_177 : i32
      %swap3A_179 = arith.constant 1 : i32
      %swap3A_180 = arith.index_cast %swap3A_179 : i32 to index
      %swap3A_181 = arith.index_cast %mul3A_178 : i32 to index
      %swap3A_182 = tpu.vector_load %arg11[%swap3A_180, %swap3A_181] {strides = array<i32>} : memref<16x1023xf32, #tpu.memory_space<vmem>>, vector<16xf32>,
      tpu.vector_store %arg11[%swap3A_180, %swap3A_181], %broadcast_in_dim3A_1 {strides = array<i32>} : memref<16x1023xf32, #tpu.memory_space<vmem>>, vector<16xf32>,
      %mul3A_183 = arith.constant 16 : i32
      %mul3A_184 = arith.muli %scan3A_170, %mul3A_183 : i32
      %swap3A_185 = arith.constant 2 : i32
      %swap3A_186 = arith.index_cast %swap3A_185 : i32 to index
      %swap3A_187 = arith.index_cast %mul3A_184 : i32 to index
      %swap3A_188 = tpu.vector_load %arg11[%swap3A_186, %swap3A_187] {strides = array<i32>} : memref<16x1023xf32, #tpu.memory_space<vmem>>, vector<16xf32>,
      tpu.vector_store %arg11[%swap3A_186, %swap3A_187], %broadcast_in_dim3A_1 {strides = array<i32>} : memref<16x1023xf32, #tpu.memory_space<vmem>>, vector<16xf32>,
      %mul3A_189 = arith.constant 16 : i32
      %mul3A_190 = arith.muli %scan3A_170, %mul3A_189 : i32
      %swap3A_191 = arith.constant 3 : i32
      %swap3A_192 = arith.index_cast %swap3A_191 : i32 to index
      %swap3A_193 = arith.index_cast %mul3A_190 : i32 to index
      %swap3A_194 = tpu.vector_load %arg11[%swap3A_192, %swap3A_193] {strides = array<i32>} : memref<16x1023xf32, #tpu.memory_space<vmem>>, vector<16xf32>,
      tpu.vector_store %arg11[%swap3A_192, %swap3A_193], %broadcast_in_dim3A_1 {strides = array<i32>} : memref<16x1023xf32, #tpu.memory_space<vmem>>, vector<16xf32>,
      %mul3A_195 = arith.constant 16 : i32
      %mul3A_196 = arith.muli %scan3A_170, %mul3A_195 : i32
      %swap3A_197 = arith.constant 4 : i32
      %swap3A_198 = arith.index_cast %swap3A_197 : i32 to index
      %swap3A_199 = arith.index_cast %mul3A_196 : i32 to index
      %swap3A_200 = tpu.vector_load %arg11[%swap3A_198, %swap3A_199] {strides = array<i32>} : memref<16x1023xf32, #tpu.memory_space<vmem>>, vector<16xf32>,
      tpu.vector_store %arg11[%swap3A_198, %swap3A_199], %broadcast_in_dim3A_1 {strides = array<i32>} : memref<16x1023xf32, #tpu.memory_space<vmem>>, vector<16xf32>,
      %mul3A_201 = arith.constant 16 : i32
      %mul3A_202 = arith.muli %scan3A_170, %mul3A_201 : i32
      %swap3A_203 = arith.constant 5 : i32
      %swap3A_204 = arith.index_cast %swap3A_203 : i32 to index
      %swap3A_205 = arith.index_cast %mul3A_202 : i32 to index
      %swap3A_206 = tpu.vector_load %arg11[%swap3A_204, %swap3A_205] {strides = array<i32>} : memref<16x1023xf32, #tpu.memory_space<vmem>>, vector<16xf32>,
      tpu.vector_store %arg11[%swap3A_204, %swap3A_205], %broadcast_in_dim3A_1 {strides = array<i32>} : memref<16x1023xf32, #tpu.memory_space<vmem>>, vector<16xf32>,
      %mul3A_207 = arith.constant 16 : i32
      %mul3A_208 = arith.muli %scan3A_170, %mul3A_207 : i32
      %swap3A_209 = arith.constant 6 : i32
      %swap3A_210 = arith.index_cast %swap3A_209 : i32 to index
      %swap3A_211 = arith.index_cast %mul3A_208 : i32 to index
      %swap3A_212 = tpu.vector_load %arg11[%swap3A_210, %swap3A_211] {strides = array<i32>} : memref<16x1023xf32, #tpu.memory_space<vmem>>, vector<16xf32>,
      tpu.vector_store %arg11[%swap3A_210, %swap3A_211], %broadcast_in_dim3A_1 {strides = array<i32>} : memref<16x1023xf32, #tpu.memory_space<vmem>>, vector<16xf32>,
      %mul3A_213 = arith.constant 16 : i32
      %mul3A_214 = arith.muli %scan3A_170, %mul3A_213 : i32
      %swap3A_215 = arith.constant 7 : i32
      %swap3A_216 = arith.index_cast %swap3A_215 : i32 to index
      %swap3A_217 = arith.index_cast %mul3A_214 : i32 to index
      %swap3A_218 = tpu.vector_load %arg11[%swap3A_216, %swap3A_217] {strides = array<i32>} : memref<16x1023xf32, #tpu.memory_space<vmem>>, vector<16xf32>,
      tpu.vector_store %arg11[%swap3A_216, %swap3A_217], %broadcast_in_dim3A_1 {strides = array<i32>} : memref<16x1023xf32, #tpu.memory_space<vmem>>, vector<16xf32>,
      %mul3A_219 = arith.constant 16 : i32
      %mul3A_220 = arith.muli %scan3A_170, %mul3A_219 : i32
      %swap3A_221 = arith.constant 8 : i32
      %swap3A_222 = arith.index_cast %swap3A_221 : i32 to index
      %swap3A_223 = arith.index_cast %mul3A_220 : i32 to index
      %swap3A_224 = tpu.vector_load %arg11[%swap3A_222, %swap3A_223] {strides = array<i32>} : memref<16x1023xf32, #tpu.memory_space<vmem>>, vector<16xf32>,
      tpu.vector_store %arg11[%swap3A_222, %swap3A_223], %broadcast_in_dim3A_1 {strides = array<i32>} : memref<16x1023xf32, #tpu.memory_space<vmem>>, vector<16xf32>,
      %mul3A_225 = arith.constant 16 : i32
      %mul3A_226 = arith.muli %scan3A_170, %mul3A_225 : i32
      %swap3A_227 = arith.constant 9 : i32
      %swap3A_228 = arith.index_cast %swap3A_227 : i32 to index
      %swap3A_229 = arith.index_cast %mul3A_226 : i32 to index
      %swap3A_230 = tpu.vector_load %arg11[%swap3A_228, %swap3A_229] {strides = array<i32>} : memref<16x1023xf32, #tpu.memory_space<vmem>>, vector<16xf32>,
      tpu.vector_store %arg11[%swap3A_228, %swap3A_229], %broadcast_in_dim3A_1 {strides = array<i32>} : memref<16x1023xf32, #tpu.memory_space<vmem>>, vector<16xf32>,
      %mul3A_231 = arith.constant 16 : i32
      %mul3A_232 = arith.muli %scan3A_170, %mul3A_231 : i32
      %swap3A_233 = arith.constant 10 : i32
      %swap3A_234 = arith.index_cast %swap3A_233 : i32 to index
      %swap3A_235 = arith.index_cast %mul3A_232 : i32 to index
      %swap3A_236 = tpu.vector_load %arg11[%swap3A_234, %swap3A_235] {strides = array<i32>} : memref<16x1023xf32, #tpu.memory_space<vmem>>, vector<16xf32>,
      tpu.vector_store %arg11[%swap3A_234, %swap3A_235], %broadcast_in_dim3A_1 {strides = array<i32>} : memref<16x1023xf32, #tpu.memory_space<vmem>>, vector<16xf32>,
      %mul3A_237 = arith.constant 16 : i32
      %mul3A_238 = arith.muli %scan3A_170, %mul3A_237 : i32
      %swap3A_239 = arith.constant 11 : i32
      %swap3A_240 = arith.index_cast %swap3A_239 : i32 to index
      %swap3A_241 = arith.index_cast %mul3A_238 : i32 to index
      %swap3A_242 = tpu.vector_load %arg11[%swap3A_240, %swap3A_241] {strides = array<i32>} : memref<16x1023xf32, #tpu.memory_space<vmem>>, vector<16xf32>,
      tpu.vector_store %arg11[%swap3A_240, %swap3A_241], %broadcast_in_dim3A_1 {strides = array<i32>} : memref<16x1023xf32, #tpu.memory_space<vmem>>, vector<16xf32>,
      %mul3A_243 = arith.constant 16 : i32
      %mul3A_244 = arith.muli %scan3A_170, %mul3A_243 : i32
      %swap3A_245 = arith.constant 12 : i32
      %swap3A_246 = arith.index_cast %swap3A_245 : i32 to index
      %swap3A_247 = arith.index_cast %mul3A_244 : i32 to index
      %swap3A_248 = tpu.vector_load %arg11[%swap3A_246, %swap3A_247] {strides = array<i32>} : memref<16x1023xf32, #tpu.memory_space<vmem>>, vector<16xf32>,
      tpu.vector_store %arg11[%swap3A_246, %swap3A_247], %broadcast_in_dim3A_1 {strides = array<i32>} : memref<16x1023xf32, #tpu.memory_space<vmem>>, vector<16xf32>,
      %mul3A_249 = arith.constant 16 : i32
      %mul3A_250 = arith.muli %scan3A_170, %mul3A_249 : i32
      %swap3A_251 = arith.constant 13 : i32
      %swap3A_252 = arith.index_cast %swap3A_251 : i32 to index
      %swap3A_253 = arith.index_cast %mul3A_250 : i32 to index
      %swap3A_254 = tpu.vector_load %arg11[%swap3A_252, %swap3A_253] {strides = array<i32>} : memref<16x1023xf32, #tpu.memory_space<vmem>>, vector<16xf32>,
      tpu.vector_store %arg11[%swap3A_252, %swap3A_253], %broadcast_in_dim3A_1 {strides = array<i32>} : memref<16x1023xf32, #tpu.memory_space<vmem>>, vector<16xf32>,
      %mul3A_255 = arith.constant 16 : i32
      %mul3A_256 = arith.muli %scan3A_170, %mul3A_255 : i32
      %swap3A_257 = arith.constant 14 : i32
      %swap3A_258 = arith.index_cast %swap3A_257 : i32 to index
      %swap3A_259 = arith.index_cast %mul3A_256 : i32 to index
      %swap3A_260 = tpu.vector_load %arg11[%swap3A_258, %swap3A_259] {strides = array<i32>} : memref<16x1023xf32, #tpu.memory_space<vmem>>, vector<16xf32>,
      tpu.vector_store %arg11[%swap3A_258, %swap3A_259], %broadcast_in_dim3A_1 {strides = array<i32>} : memref<16x1023xf32, #tpu.memory_space<vmem>>, vector<16xf32>,
      %mul3A_261 = arith.constant 16 : i32
      %mul3A_262 = arith.muli %scan3A_170, %mul3A_261 : i32
      %swap3A_263 = arith.constant 15 : i32
      %swap3A_264 = arith.index_cast %swap3A_263 : i32 to index
      %swap3A_265 = arith.index_cast %mul3A_262 : i32 to index
      %swap3A_266 = tpu.vector_load %arg11[%swap3A_264, %swap3A_265] {strides = array<i32>} : memref<16x1023xf32, #tpu.memory_space<vmem>>, vector<16xf32>,
      tpu.vector_store %arg11[%swap3A_264, %swap3A_265], %broadcast_in_dim3A_1 {strides = array<i32>} : memref<16x1023xf32, #tpu.memory_space<vmem>>, vector<16xf32>,
      %scan3A_267 = arith.constant 0 : i32
      scf.yield %scan3A_267 : i32
    }
    %scan3A_148 = arith.constant 63 : i32
    tpu.vector_store_idx %arg11[%broadcast_in_dim3A_5, %add3A_38], %broadcast_in_dim3A_1 : memref<16x1023xf32, #tpu.memory_space<vmem>>[vector<16xi32>, vector<16xi32>], vector<16xf32>,
    tpu.vector_store_idx %arg11[%broadcast_in_dim3A_7, %add3A_38], %broadcast_in_dim3A_1 : memref<16x1023xf32, #tpu.memory_space<vmem>>[vector<16xi32>, vector<16xi32>], vector<16xf32>,
    tpu.vector_store_idx %arg11[%broadcast_in_dim3A_9, %add3A_38], %broadcast_in_dim3A_1 : memref<16x1023xf32, #tpu.memory_space<vmem>>[vector<16xi32>, vector<16xi32>], vector<16xf32>,
    tpu.vector_store_idx %arg11[%broadcast_in_dim3A_11, %add3A_38], %broadcast_in_dim3A_1 : memref<16x1023xf32, #tpu.memory_space<vmem>>[vector<16xi32>, vector<16xi32>], vector<16xf32>,
    tpu.vector_store_idx %arg11[%broadcast_in_dim3A_13, %add3A_38], %broadcast_in_dim3A_1 : memref<16x1023xf32, #tpu.memory_space<vmem>>[vector<16xi32>, vector<16xi32>], vector<16xf32>,
    tpu.vector_store_idx %arg11[%broadcast_in_dim3A_15, %add3A_38], %broadcast_in_dim3A_1 : memref<16x1023xf32, #tpu.memory_space<vmem>>[vector<16xi32>, vector<16xi32>], vector<16xf32>,
    tpu.vector_store_idx %arg11[%broadcast_in_dim3A_17, %add3A_38], %broadcast_in_dim3A_1 : memref<16x1023xf32, #tpu.memory_space<vmem>>[vector<16xi32>, vector<16xi32>], vector<16xf32>,
    tpu.vector_store_idx %arg11[%broadcast_in_dim3A_19, %add3A_38], %broadcast_in_dim3A_1 : memref<16x1023xf32, #tpu.memory_space<vmem>>[vector<16xi32>, vector<16xi32>], vector<16xf32>,
    tpu.vector_store_idx %arg11[%broadcast_in_dim3A_21, %add3A_38], %broadcast_in_dim3A_1 : memref<16x1023xf32, #tpu.memory_space<vmem>>[vector<16xi32>, vector<16xi32>], vector<16xf32>,
    tpu.vector_store_idx %arg11[%broadcast_in_dim3A_23, %add3A_38], %broadcast_in_dim3A_1 : memref<16x1023xf32, #tpu.memory_space<vmem>>[vector<16xi32>, vector<16xi32>], vector<16xf32>,
    tpu.vector_store_idx %arg11[%broadcast_in_dim3A_25, %add3A_38], %broadcast_in_dim3A_1 : memref<16x1023xf32, #tpu.memory_space<vmem>>[vector<16xi32>, vector<16xi32>], vector<16xf32>,
    tpu.vector_store_idx %arg11[%broadcast_in_dim3A_27, %add3A_38], %broadcast_in_dim3A_1 : memref<16x1023xf32, #tpu.memory_space<vmem>>[vector<16xi32>, vector<16xi32>], vector<16xf32>,
    tpu.vector_store_idx %arg11[%broadcast_in_dim3A_29, %add3A_38], %broadcast_in_dim3A_1 : memref<16x1023xf32, #tpu.memory_space<vmem>>[vector<16xi32>, vector<16xi32>], vector<16xf32>,
    tpu.vector_store_idx %arg11[%broadcast_in_dim3A_31, %add3A_38], %broadcast_in_dim3A_1 : memref<16x1023xf32, #tpu.memory_space<vmem>>[vector<16xi32>, vector<16xi32>], vector<16xf32>,
    tpu.vector_store_idx %arg11[%broadcast_in_dim3A_33, %add3A_38], %broadcast_in_dim3A_1 : memref<16x1023xf32, #tpu.memory_space<vmem>>[vector<16xi32>, vector<16xi32>], vector<16xf32>,
    tpu.vector_store_idx %arg11[%broadcast_in_dim3A_35, %add3A_38], %broadcast_in_dim3A_1 : memref<16x1023xf32, #tpu.memory_space<vmem>>[vector<16xi32>, vector<16xi32>], vector<16xf32>,
    %scan3A_149 = arith.constant 0 : i32
    %scan3A_150 = arith.constant 0 : i32
    %scan3A_151 = arith.constant 64 : i32
    %scan3A_152 = arith.addi %scan3A_150, %scan3A_151 : i32
    %scan3A_153 = arith.constant 1 : i32
    %scan3A_154 = scf.for %scan3A_170 = %scan3A_150 to %scan3A_152 step %scan3A_153 iter_args(%scan3A_171 = %scan3A_149) -> (i32)  : i32 {
      %mul3A_172 = arith.constant 16 : i32
      %mul3A_173 = arith.muli %scan3A_170, %mul3A_172 : i32
      %get3A = arith.index_cast %mul3A_173 : i32 to index
      %get3A_174 = tpu.vector_load %arg6[%get3A] {strides = array<i32>} : memref<1024xi32, #tpu.memory_space<vmem>>, vector<16xi32>,
      %get3A_175 = arith.index_cast %mul3A_173 : i32 to index
      %get3A_176 = tpu.vector_load %arg7[%get3A_175] {strides = array<i32>} : memref<1024xf32, #tpu.memory_space<vmem>>, vector<16xf32>,
      %get3A_177 = arith.constant 0 : i32
      %get3A_178 = arith.index_cast %get3A_177 : i32 to index
      %get3A_179 = arith.index_cast %mul3A_173 : i32 to index
      %get3A_180 = tpu.vector_load %arg9[%get3A_178, %get3A_179] {strides = array<i32>} : memref<16x1024xf32, #tpu.memory_space<vmem>>, vector<16xf32>,
      %mul3A_181 = arith.mulf %get3A_180, %get3A_176 : vector<16xf32>
      %get3A_182 = arith.constant 1 : i32
      %get3A_183 = arith.index_cast %get3A_182 : i32 to index
      %get3A_184 = arith.index_cast %mul3A_173 : i32 to index
      %get3A_185 = tpu.vector_load %arg9[%get3A_183, %get3A_184] {strides = array<i32>} : memref<16x1024xf32, #tpu.memory_space<vmem>>, vector<16xf32>,
      %mul3A_186 = arith.mulf %get3A_185, %get3A_176 : vector<16xf32>
      %get3A_187 = arith.constant 2 : i32
      %get3A_188 = arith.index_cast %get3A_187 : i32 to index
      %get3A_189 = arith.index_cast %mul3A_173 : i32 to index
      %get3A_190 = tpu.vector_load %arg9[%get3A_188, %get3A_189] {strides = array<i32>} : memref<16x1024xf32, #tpu.memory_space<vmem>>, vector<16xf32>,
      %mul3A_191 = arith.mulf %get3A_190, %get3A_176 : vector<16xf32>
      %get3A_192 = arith.constant 3 : i32
      %get3A_193 = arith.index_cast %get3A_192 : i32 to index
      %get3A_194 = arith.index_cast %mul3A_173 : i32 to index
      %get3A_195 = tpu.vector_load %arg9[%get3A_193, %get3A_194] {strides = array<i32>} : memref<16x1024xf32, #tpu.memory_space<vmem>>, vector<16xf32>,
      %mul3A_196 = arith.mulf %get3A_195, %get3A_176 : vector<16xf32>
      %get3A_197 = arith.constant 4 : i32
      %get3A_198 = arith.index_cast %get3A_197 : i32 to index
      %get3A_199 = arith.index_cast %mul3A_173 : i32 to index
      %get3A_200 = tpu.vector_load %arg9[%get3A_198, %get3A_199] {strides = array<i32>} : memref<16x1024xf32, #tpu.memory_space<vmem>>, vector<16xf32>,
      %mul3A_201 = arith.mulf %get3A_200, %get3A_176 : vector<16xf32>
      %get3A_202 = arith.constant 5 : i32
      %get3A_203 = arith.index_cast %get3A_202 : i32 to index
      %get3A_204 = arith.index_cast %mul3A_173 : i32 to index
      %get3A_205 = tpu.vector_load %arg9[%get3A_203, %get3A_204] {strides = array<i32>} : memref<16x1024xf32, #tpu.memory_space<vmem>>, vector<16xf32>,
      %mul3A_206 = arith.mulf %get3A_205, %get3A_176 : vector<16xf32>
      %get3A_207 = arith.constant 6 : i32
      %get3A_208 = arith.index_cast %get3A_207 : i32 to index
      %get3A_209 = arith.index_cast %mul3A_173 : i32 to index
      %get3A_210 = tpu.vector_load %arg9[%get3A_208, %get3A_209] {strides = array<i32>} : memref<16x1024xf32, #tpu.memory_space<vmem>>, vector<16xf32>,
      %mul3A_211 = arith.mulf %get3A_210, %get3A_176 : vector<16xf32>
      %get3A_212 = arith.constant 7 : i32
      %get3A_213 = arith.index_cast %get3A_212 : i32 to index
      %get3A_214 = arith.index_cast %mul3A_173 : i32 to index
      %get3A_215 = tpu.vector_load %arg9[%get3A_213, %get3A_214] {strides = array<i32>} : memref<16x1024xf32, #tpu.memory_space<vmem>>, vector<16xf32>,
      %mul3A_216 = arith.mulf %get3A_215, %get3A_176 : vector<16xf32>
      %get3A_217 = arith.constant 8 : i32
      %get3A_218 = arith.index_cast %get3A_217 : i32 to index
      %get3A_219 = arith.index_cast %mul3A_173 : i32 to index
      %get3A_220 = tpu.vector_load %arg9[%get3A_218, %get3A_219] {strides = array<i32>} : memref<16x1024xf32, #tpu.memory_space<vmem>>, vector<16xf32>,
      %mul3A_221 = arith.mulf %get3A_220, %get3A_176 : vector<16xf32>
      %get3A_222 = arith.constant 9 : i32
      %get3A_223 = arith.index_cast %get3A_222 : i32 to index
      %get3A_224 = arith.index_cast %mul3A_173 : i32 to index
      %get3A_225 = tpu.vector_load %arg9[%get3A_223, %get3A_224] {strides = array<i32>} : memref<16x1024xf32, #tpu.memory_space<vmem>>, vector<16xf32>,
      %mul3A_226 = arith.mulf %get3A_225, %get3A_176 : vector<16xf32>
      %get3A_227 = arith.constant 10 : i32
      %get3A_228 = arith.index_cast %get3A_227 : i32 to index
      %get3A_229 = arith.index_cast %mul3A_173 : i32 to index
      %get3A_230 = tpu.vector_load %arg9[%get3A_228, %get3A_229] {strides = array<i32>} : memref<16x1024xf32, #tpu.memory_space<vmem>>, vector<16xf32>,
      %mul3A_231 = arith.mulf %get3A_230, %get3A_176 : vector<16xf32>
      %get3A_232 = arith.constant 11 : i32
      %get3A_233 = arith.index_cast %get3A_232 : i32 to index
      %get3A_234 = arith.index_cast %mul3A_173 : i32 to index
      %get3A_235 = tpu.vector_load %arg9[%get3A_233, %get3A_234] {strides = array<i32>} : memref<16x1024xf32, #tpu.memory_space<vmem>>, vector<16xf32>,
      %mul3A_236 = arith.mulf %get3A_235, %get3A_176 : vector<16xf32>
      %get3A_237 = arith.constant 12 : i32
      %get3A_238 = arith.index_cast %get3A_237 : i32 to index
      %get3A_239 = arith.index_cast %mul3A_173 : i32 to index
      %get3A_240 = tpu.vector_load %arg9[%get3A_238, %get3A_239] {strides = array<i32>} : memref<16x1024xf32, #tpu.memory_space<vmem>>, vector<16xf32>,
      %mul3A_241 = arith.mulf %get3A_240, %get3A_176 : vector<16xf32>
      %get3A_242 = arith.constant 13 : i32
      %get3A_243 = arith.index_cast %get3A_242 : i32 to index
      %get3A_244 = arith.index_cast %mul3A_173 : i32 to index
      %get3A_245 = tpu.vector_load %arg9[%get3A_243, %get3A_244] {strides = array<i32>} : memref<16x1024xf32, #tpu.memory_space<vmem>>, vector<16xf32>,
      %mul3A_246 = arith.mulf %get3A_245, %get3A_176 : vector<16xf32>
      %get3A_247 = arith.constant 14 : i32
      %get3A_248 = arith.index_cast %get3A_247 : i32 to index
      %get3A_249 = arith.index_cast %mul3A_173 : i32 to index
      %get3A_250 = tpu.vector_load %arg9[%get3A_248, %get3A_249] {strides = array<i32>} : memref<16x1024xf32, #tpu.memory_space<vmem>>, vector<16xf32>,
      %mul3A_251 = arith.mulf %get3A_250, %get3A_176 : vector<16xf32>
      %get3A_252 = arith.constant 15 : i32
      %get3A_253 = arith.index_cast %get3A_252 : i32 to index
      %get3A_254 = arith.index_cast %mul3A_173 : i32 to index
      %get3A_255 = tpu.vector_load %arg9[%get3A_253, %get3A_254] {strides = array<i32>} : memref<16x1024xf32, #tpu.memory_space<vmem>>, vector<16xf32>,
      %mul3A_256 = arith.mulf %get3A_255, %get3A_176 : vector<16xf32>
      tpu.vector_store_idx %arg11[%broadcast_in_dim3A_5, %get3A_174], %mul3A_181 {add = true} : memref<16x1023xf32, #tpu.memory_space<vmem>>[vector<16xi32>, vector<16xi32>], vector<16xf32>,
      tpu.vector_store_idx %arg11[%broadcast_in_dim3A_7, %get3A_174], %mul3A_186 {add = true} : memref<16x1023xf32, #tpu.memory_space<vmem>>[vector<16xi32>, vector<16xi32>], vector<16xf32>,
      tpu.vector_store_idx %arg11[%broadcast_in_dim3A_9, %get3A_174], %mul3A_191 {add = true} : memref<16x1023xf32, #tpu.memory_space<vmem>>[vector<16xi32>, vector<16xi32>], vector<16xf32>,
      tpu.vector_store_idx %arg11[%broadcast_in_dim3A_11, %get3A_174], %mul3A_196 {add = true} : memref<16x1023xf32, #tpu.memory_space<vmem>>[vector<16xi32>, vector<16xi32>], vector<16xf32>,
      tpu.vector_store_idx %arg11[%broadcast_in_dim3A_13, %get3A_174], %mul3A_201 {add = true} : memref<16x1023xf32, #tpu.memory_space<vmem>>[vector<16xi32>, vector<16xi32>], vector<16xf32>,
      tpu.vector_store_idx %arg11[%broadcast_in_dim3A_15, %get3A_174], %mul3A_206 {add = true} : memref<16x1023xf32, #tpu.memory_space<vmem>>[vector<16xi32>, vector<16xi32>], vector<16xf32>,
      tpu.vector_store_idx %arg11[%broadcast_in_dim3A_17, %get3A_174], %mul3A_211 {add = true} : memref<16x1023xf32, #tpu.memory_space<vmem>>[vector<16xi32>, vector<16xi32>], vector<16xf32>,
      tpu.vector_store_idx %arg11[%broadcast_in_dim3A_19, %get3A_174], %mul3A_216 {add = true} : memref<16x1023xf32, #tpu.memory_space<vmem>>[vector<16xi32>, vector<16xi32>], vector<16xf32>,
      tpu.vector_store_idx %arg11[%broadcast_in_dim3A_21, %get3A_174], %mul3A_221 {add = true} : memref<16x1023xf32, #tpu.memory_space<vmem>>[vector<16xi32>, vector<16xi32>], vector<16xf32>,
      tpu.vector_store_idx %arg11[%broadcast_in_dim3A_23, %get3A_174], %mul3A_226 {add = true} : memref<16x1023xf32, #tpu.memory_space<vmem>>[vector<16xi32>, vector<16xi32>], vector<16xf32>,
      tpu.vector_store_idx %arg11[%broadcast_in_dim3A_25, %get3A_174], %mul3A_231 {add = true} : memref<16x1023xf32, #tpu.memory_space<vmem>>[vector<16xi32>, vector<16xi32>], vector<16xf32>,
      tpu.vector_store_idx %arg11[%broadcast_in_dim3A_27, %get3A_174], %mul3A_236 {add = true} : memref<16x1023xf32, #tpu.memory_space<vmem>>[vector<16xi32>, vector<16xi32>], vector<16xf32>,
      tpu.vector_store_idx %arg11[%broadcast_in_dim3A_29, %get3A_174], %mul3A_241 {add = true} : memref<16x1023xf32, #tpu.memory_space<vmem>>[vector<16xi32>, vector<16xi32>], vector<16xf32>,
      tpu.vector_store_idx %arg11[%broadcast_in_dim3A_31, %get3A_174], %mul3A_246 {add = true} : memref<16x1023xf32, #tpu.memory_space<vmem>>[vector<16xi32>, vector<16xi32>], vector<16xf32>,
      tpu.vector_store_idx %arg11[%broadcast_in_dim3A_33, %get3A_174], %mul3A_251 {add = true} : memref<16x1023xf32, #tpu.memory_space<vmem>>[vector<16xi32>, vector<16xi32>], vector<16xf32>,
      tpu.vector_store_idx %arg11[%broadcast_in_dim3A_35, %get3A_174], %mul3A_256 {add = true} : memref<16x1023xf32, #tpu.memory_space<vmem>>[vector<16xi32>, vector<16xi32>], vector<16xf32>,
      %scan3A_257 = arith.constant 0 : i32
      scf.yield %scan3A_257 : i32
    }
    %scan3A_155 = arith.constant 64 : i32
    %add3A_156 = arith.constant 48 : i32
    %add3A_157 = arith.addi %mul3A_3, %add3A_156 : i32
    %dma_start3A_158 = arith.constant 0 : i32
    %dma_start3A_159 = tpu.memref_slice %arg5[%add3A_157, %dma_start3A_158] : memref<8192x1023xf32, #tpu.memory_space<hbm>> -> memref<16x1023xf32, #tpu.memory_space<hbm>>
    %dma_start3A_160 = arith.constant 0 : i32
    %dma_start3A_161 = tpu.memref_slice %arg5[%add3A_157, %dma_start3A_160] : memref<8192x1023xf32, #tpu.memory_space<hbm>> -> memref<16x1023xf32, #tpu.memory_space<hbm>>
    tpu.enqueue_dma source(%arg11 : memref<16x1023xf32, #tpu.memory_space<vmem>>) target(%dma_start3A_161 : memref<16x1023xf32, #tpu.memory_space<hbm>>) target_semaphore(%arg15 : memref<!tpu.dma_semaphore, #tpu.memory_space<semaphore_mem>>)
    %dma_wait3A_162 = arith.constant 0 : i32
    %dma_wait3A_163 = tpu.memref_slice %arg5[%add3A_129, %dma_wait3A_162] : memref<8192x1023xf32, #tpu.memory_space<hbm>> -> memref<16x1023xf32, #tpu.memory_space<hbm>>
    %dma_wait3A_164 = arith.constant 0 : i32
    %dma_wait3A_165 = tpu.memref_slice %arg5[%add3A_129, %dma_wait3A_164] : memref<8192x1023xf32, #tpu.memory_space<hbm>> -> memref<16x1023xf32, #tpu.memory_space<hbm>>
    tpu.wait_dma2 semaphore(%arg14 : memref<!tpu.dma_semaphore, #tpu.memory_space<semaphore_mem>>) src(%arg10 : memref<16x1023xf32, #tpu.memory_space<vmem>>) dst(%dma_wait3A_165 : memref<16x1023xf32, #tpu.memory_space<hbm>>)
    %dma_wait3A_166 = arith.constant 0 : i32
    %dma_wait3A_167 = tpu.memref_slice %arg5[%add3A_157, %dma_wait3A_166] : memref<8192x1023xf32, #tpu.memory_space<hbm>> -> memref<16x1023xf32, #tpu.memory_space<hbm>>
    %dma_wait3A_168 = arith.constant 0 : i32
    %dma_wait3A_169 = tpu.memref_slice %arg5[%add3A_157, %dma_wait3A_168] : memref<8192x1023xf32, #tpu.memory_space<hbm>> -> memref<16x1023xf32, #tpu.memory_space<hbm>>
    tpu.wait_dma2 semaphore(%arg15 : memref<!tpu.dma_semaphore, #tpu.memory_space<semaphore_mem>>) src(%arg11 : memref<16x1023xf32, #tpu.memory_space<vmem>>) dst(%dma_wait3A_169 : memref<16x1023xf32, #tpu.memory_space<hbm>>)
    return
  }
}

module attributes {stable_mosaic.version = 14 : i64} {
  func.func @_mm_body(%arg0: i32, %arg1: memref<8192x1023xf32, #tpu.memory_space<any>>, %arg2: memref<1024x1024xf32, #tpu.memory_space<vmem>>, %arg3: memref<1024x1023xf32, #tpu.memory_space<vmem>>, %arg4: memref<1x1023xf32, #tpu.memory_space<vmem>>, %arg5: memref<1024x1023xf32, #tpu.memory_space<vmem>>) attributes {dimension_semantics = [#tpu.dimension_semantics<arbitrary>], iteration_bounds = array<i64: 6>, scalar_prefetch = 0 : i64, scratch_operands = 0 : i64, tpu.core_type = #tpu.core_type<tc>, window_params = [{}, {transform_indices = @transform_1, window_bounds = array<i64: 1024, 1024>}, {pipeline_mode = #tpu.pipeline_mode<synchronous>, transform_indices = @transform_2, window_bounds = array<i64: 1024, 1023>}, {pipeline_mode = #tpu.pipeline_mode<synchronous>, transform_indices = @transform_3, window_bounds = array<i64: 1, 1023>}, {transform_indices = @transform_4, window_bounds = array<i64: 1024, 1023>}]} {
    %get3A = arith.constant 0 : index
    %get3A_0 = arith.constant 0 : index
    %get3A_1 = vector.load %arg2[%get3A, %get3A_0] : memref<1024x1024xf32, #tpu.memory_space<vmem>>, vector<1024x1024xf32>
    %get3A_2 = arith.constant 0 : index
    %get3A_3 = arith.constant 0 : index
    %get3A_4 = vector.load %arg3[%get3A_2, %get3A_3] : memref<1024x1023xf32, #tpu.memory_space<vmem>>, vector<1024x1023xf32>
    %dot_general3A = arith.constant dense<0.000000e+00> : vector<1024x1023xf32>
    %dot_general3A_5 = tpu.matmul %get3A_1, %get3A_4, %dot_general3A {dimension_numbers = #tpu.dot_dimension_numbers<[1], [0], [0], [1], [0, 0, 1, 1], [], []>, transpose_lhs_hint = false} : vector<1024x1024xf32>, vector<1024x1023xf32>, vector<1024x1023xf32> -> vector<1024x1023xf32>
    %get3A_6 = arith.constant 0 : index
    %get3A_7 = arith.constant 0 : index
    %get3A_8 = vector.load %arg4[%get3A_6, %get3A_7] : memref<1x1023xf32, #tpu.memory_space<vmem>>, vector<1x1023xf32>
    %add3A = arith.constant 9.99999996E-13 : f32
    %add3A_9 = vector.broadcast %add3A : f32 to vector<1x1023xf32>
    %add3A_10 = arith.addf %get3A_8, %add3A_9 : vector<1x1023xf32>
    %div3A = vector.broadcast %add3A_10 : vector<1x1023xf32> to vector<1024x1023xf32>
    %div3A_11 = arith.divf %dot_general3A_5, %div3A : vector<1024x1023xf32>
    %jit3A = arith.constant -1.000000e+04 : f32
    %jit3A_12 = arith.constant 1.000000e+04 : f32
    %max3A = vector.broadcast %jit3A : f32 to vector<1024x1023xf32>
    %max3A_13 = arith.maximumf %max3A, %div3A_11 : vector<1024x1023xf32>
    %min3A = vector.broadcast %jit3A_12 : f32 to vector<1024x1023xf32>
    %min3A_14 = arith.minimumf %min3A, %max3A_13 : vector<1024x1023xf32>
    %swap3A = arith.constant 0 : index
    %swap3A_15 = arith.constant 0 : index
    %swap3A_16 = vector.load %arg5[%swap3A, %swap3A_15] : memref<1024x1023xf32, #tpu.memory_space<vmem>>, vector<1024x1023xf32>
    tpu.vector_store %arg5[%swap3A, %swap3A_15], %min3A_14 {strides = array<i32>} : memref<1024x1023xf32, #tpu.memory_space<vmem>>, vector<1024x1023xf32>,
    return
  }
  func.func @transform_1(%arg0: i32) -> (i32, i32) {
    %add3A = arith.constant 2 : i32
    %add3A_0 = arith.addi %add3A, %arg0 : i32
    %c0_i32 = arith.constant 0 : i32
    %c0_i32_1 = arith.constant 0 : i32
    return %add3A_0, %c0_i32 : i32, i32
  }
  func.func @transform_2(%arg0: i32) -> (i32, i32) {
    %c0_i32 = arith.constant 0 : i32
    %c0_i32_0 = arith.constant 0 : i32
    %c0_i32_1 = arith.constant 0 : i32
    return %c0_i32, %c0_i32_0 : i32, i32
  }
  func.func @transform_3(%arg0: i32) -> (i32, i32) {
    %c0_i32 = arith.constant 0 : i32
    %c0_i32_0 = arith.constant 0 : i32
    %c0_i32_1 = arith.constant 0 : i32
    return %c0_i32, %c0_i32_0 : i32, i32
  }
  func.func @transform_4(%arg0: i32) -> (i32, i32) {
    %add3A = arith.constant 2 : i32
    %add3A_0 = arith.addi %add3A, %arg0 : i32
    %c0_i32 = arith.constant 0 : i32
    %c0_i32_1 = arith.constant 0 : i32
    return %add3A_0, %c0_i32 : i32, i32
  }
}

module attributes {stable_mosaic.version = 14 : i64} {
  func.func @_route_body(%arg0: memref<1024x1023xf32, #tpu.memory_space<vmem>>, %arg1: memref<1x1024xi32, #tpu.memory_space<vmem>>, %arg2: memref<1024x1023xf32, #tpu.memory_space<vmem>>, %arg3: memref<1x1023xf32, #tpu.memory_space<vmem>>, %arg4: memref<1x1024xf32, #tpu.memory_space<vmem>>) attributes {dimension_semantics = [], scalar_prefetch = 0 : i64, scratch_operands = 0 : i64, tpu.core_type = #tpu.core_type<tc>} {
    %get3A = arith.constant 0 : index
    %get3A_0 = arith.constant 0 : index
    %get3A_1 = vector.load %arg0[%get3A, %get3A_0] : memref<1024x1023xf32, #tpu.memory_space<vmem>>, vector<1024x1023xf32>
    %div3A = arith.constant 3.000000e+00 : f32
    %div3A_2 = vector.broadcast %div3A : f32 to vector<1024x1023xf32>
    %div3A_3 = arith.divf %get3A_1, %div3A_2 : vector<1024x1023xf32>
    %reduce_max3A = arith.constant dense<0xFF800000> : vector<1024xf32>
    %reduce_max3A_4 = vector.multi_reduction <maximumf>, %div3A_3, %reduce_max3A [1] : vector<1024x1023xf32> to vector<1024xf32>
    %max3A = arith.constant 0xFF800000 : f32
    %max3A_5 = vector.broadcast %max3A : f32 to vector<1024xf32>
    %max3A_6 = arith.maximumf %max3A_5, %reduce_max3A_4 : vector<1024xf32>
    %broadcast_in_dim3A = vector.shape_cast %max3A_6 : vector<1024xf32> to vector<1024x1xf32>
    %sub3A = vector.broadcast %broadcast_in_dim3A : vector<1024x1xf32> to vector<1024x1023xf32>
    %sub3A_7 = arith.subf %div3A_3, %sub3A : vector<1024x1023xf32>
    %exp3A = math.exp %sub3A_7 : vector<1024x1023xf32>
    %reduce_sum3A = arith.constant dense<0.000000e+00> : vector<1024xf32>
    %reduce_sum3A_8 = vector.multi_reduction <add>, %exp3A, %reduce_sum3A [1] : vector<1024x1023xf32> to vector<1024xf32>
    %broadcast_in_dim3A_9 = vector.shape_cast %reduce_sum3A_8 : vector<1024xf32> to vector<1024x1xf32>
    %div3A_10 = vector.broadcast %broadcast_in_dim3A_9 : vector<1024x1xf32> to vector<1024x1023xf32>
    %div3A_11 = arith.divf %exp3A, %div3A_10 : vector<1024x1023xf32>
    %reduce_max3A_12 = arith.constant dense<0xFF800000> : vector<1024xf32>
    %reduce_max3A_13 = vector.multi_reduction <maximumf>, %div3A_11, %reduce_max3A_12 [1] : vector<1024x1023xf32> to vector<1024xf32>
    %broadcast_in_dim3A_14 = vector.shape_cast %reduce_max3A_13 : vector<1024xf32> to vector<1024x1xf32>
    %iota3A = tpu.iota {dimensions = array<i32: 1>} : vector<1024x1023xi32>
    %eq3A = vector.broadcast %broadcast_in_dim3A_14 : vector<1024x1xf32> to vector<1024x1023xf32>
    %eq3A_15 = arith.cmpf oeq, %div3A_11, %eq3A : vector<1024x1023xf32>
    %jit3A = arith.constant 1023 : i32
    %broadcast_in_dim3A_16 = vector.broadcast %jit3A : i32 to vector<1024x1023xi32>
    %select_n3A = arith.select %eq3A_15, %iota3A, %broadcast_in_dim3A_16 : vector<1024x1023xi1>, vector<1024x1023xi32>
    %reduce_min3A = arith.constant dense<2147483647> : vector<1024xi32>
    %reduce_min3A_17 = vector.multi_reduction <minsi>, %select_n3A, %reduce_min3A [1] : vector<1024x1023xi32> to vector<1024xi32>
    %broadcast_in_dim3A_18 = vector.shape_cast %reduce_min3A_17 : vector<1024xi32> to vector<1024x1xi32>
    %reshape3A = vector.shape_cast %broadcast_in_dim3A_18 : vector<1024x1xi32> to vector<1x1024xi32>
    %swap3A = arith.constant 0 : index
    %swap3A_19 = arith.constant 0 : index
    %swap3A_20 = vector.load %arg1[%swap3A, %swap3A_19] : memref<1x1024xi32, #tpu.memory_space<vmem>>, vector<1x1024xi32>
    tpu.vector_store %arg1[%swap3A, %swap3A_19], %reshape3A {strides = array<i32>} : memref<1x1024xi32, #tpu.memory_space<vmem>>, vector<1x1024xi32>,
    %eq3A_21 = vector.broadcast %broadcast_in_dim3A_18 : vector<1024x1xi32> to vector<1024x1023xi32>
    %eq3A_22 = arith.cmpi eq, %eq3A_21, %iota3A : vector<1024x1023xi32>
    %convert_element_type3A = arith.extui %eq3A_22 : vector<1024x1023xi1> to vector<1024x1023xi32>
    %convert_element_type3A_23 = arith.sitofp %convert_element_type3A : vector<1024x1023xi32> to vector<1024x1023xf32>
    %swap3A_24 = arith.constant 0 : index
    %swap3A_25 = arith.constant 0 : index
    %swap3A_26 = vector.load %arg2[%swap3A_24, %swap3A_25] : memref<1024x1023xf32, #tpu.memory_space<vmem>>, vector<1024x1023xf32>
    tpu.vector_store %arg2[%swap3A_24, %swap3A_25], %convert_element_type3A_23 {strides = array<i32>} : memref<1024x1023xf32, #tpu.memory_space<vmem>>, vector<1024x1023xf32>,
    %reduce_sum3A_27 = arith.constant dense<0.000000e+00> : vector<1023xf32>
    %reduce_sum3A_28 = vector.multi_reduction <add>, %convert_element_type3A_23, %reduce_sum3A_27 [0] : vector<1024x1023xf32> to vector<1023xf32>
    %broadcast_in_dim3A_29 = vector.shape_cast %reduce_sum3A_28 : vector<1023xf32> to vector<1x1023xf32>
    %swap3A_30 = arith.constant 0 : index
    %swap3A_31 = arith.constant 0 : index
    %swap3A_32 = vector.load %arg3[%swap3A_30, %swap3A_31] : memref<1x1023xf32, #tpu.memory_space<vmem>>, vector<1x1023xf32>
    tpu.vector_store %arg3[%swap3A_30, %swap3A_31], %broadcast_in_dim3A_29 {strides = array<i32>} : memref<1x1023xf32, #tpu.memory_space<vmem>>, vector<1x1023xf32>,
    %add3A = arith.constant 9.99999996E-13 : f32
    %add3A_33 = vector.broadcast %add3A : f32 to vector<1x1023xf32>
    %add3A_34 = arith.addf %broadcast_in_dim3A_29, %add3A_33 : vector<1x1023xf32>
    %div3A_35 = arith.constant 1.000000e+00 : f32
    %div3A_36 = vector.broadcast %div3A_35 : f32 to vector<1x1023xf32>
    %div3A_37 = arith.divf %div3A_36, %add3A_34 : vector<1x1023xf32>
    %reshape3A_38 = vector.shape_cast %div3A_37 : vector<1x1023xf32> to vector<1023x1xf32>
    %dot_general3A = arith.constant dense<0.000000e+00> : vector<1024x1xf32>
    %dot_general3A_39 = tpu.matmul %convert_element_type3A_23, %reshape3A_38, %dot_general3A {dimension_numbers = #tpu.dot_dimension_numbers<[1], [0], [0], [1], [0, 0, 1, 1], [], []>, transpose_lhs_hint = false} : vector<1024x1023xf32>, vector<1023x1xf32>, vector<1024x1xf32> -> vector<1024x1xf32>
    %reshape3A_40 = vector.shape_cast %dot_general3A_39 : vector<1024x1xf32> to vector<1x1024xf32>
    %swap3A_41 = arith.constant 0 : index
    %swap3A_42 = arith.constant 0 : index
    %swap3A_43 = vector.load %arg4[%swap3A_41, %swap3A_42] : memref<1x1024xf32, #tpu.memory_space<vmem>>, vector<1x1024xf32>
    tpu.vector_store %arg4[%swap3A_41, %swap3A_42], %reshape3A_40 {strides = array<i32>} : memref<1x1024xf32, #tpu.memory_space<vmem>>, vector<1x1024xf32>,
    return
  }
}

</mosaic_0001>

<sc_bundles>
// kernel: kernel.5.cloned.1.call-start
scs
__scs_entry_jumppad:
0x0: {  	(pc) =	sbr.rel $0x88, $3  }
0x1: {  	(tag) =	ssettag $0x0;
	lr =	simm.s32 $0x1  }
0x2: {  	[smem:$0x3F9F] =	sst lr;
	_ =	strace $0xD0000000  }
0x3: {  	_ = 	snop  }
0x4: {  	_ = 	snop  }
0x5: {  	_ = 	snop  }
0x6: {  	_ = 	snop  }
0x7: {  	_ = 	snop  }
__scs_overlays_trampoline_lowered:
0x8: {  	[smem:$0x3FAE] =	sst s0  }
0x9: {  	[smem:$0x3FAF] =	sst s1  }
0xa: {  	[smem:$0x3FB0] =	sst s2  }
0xb: {  	[smem:$0x3FB1] =	sst s3  }
0xc: {  	[smem:$0x3FB2] =	sst s4  }
0xd: {  	[smem:$0x3FB3] =	sst s5  }
0xe: {  	[smem:$0x3FB4] =	sst s6  }
0xf: {  	[smem:$0x3FB5] =	sst s7  }
0x10: {  	[smem:$0x3FB6] =	sst s8  }
0x11: {  	[smem:$0x3FB7] =	sst s9;
	s0 =	simm.s32 @!p0 $0x0  }
0x12: {  	s1 =	sld [smem:$0x3F9D];
	s0 =	simm.s32 @p0 $0x1  }
0x13: {  	[smem:$0x3FB8] =	sst s0;
	s0 =	simm.s32 @!p1 $0x0  }
0x14: {  	s2 =	sld [smem:$0x3F9C];
	s0 =	simm.s32 @p1 $0x1  }
0x15: {  	[smem:$0x3FB9] =	sst s0;
	s0 =	simm.s32 @!p2 $0x0  }
0x16: {  	s3 =	sld [smem:$0x3FDB];
	s0 =	simm.s32 @p2 $0x1  }
0x17: {  	s4 =	simm.s32 $0x1BF5;
	[smem:$0x3FBB] =	sst s0  }
0x18: {  	s0 =	sld [smem:$0x3F9E];
	_ =	swait.ge [sflag:s4], $0x0  }
0x19: {  	s7 =	sld [smem:$0x3F9F]  }
0x1a: {  	s8 =	sadd.s32 $0xFFFFE003, lr  }
0x1b: {  	s9 =	sadd.s32 $0xFFFFFEF7, lr;
	s5 =	simm.s32 $0xFFFFFFFF;
	p2 =	slt.u32 s8, $0xFFFFF086  }
0x1c: {  	p1 =	slt.u32 s9, $0xF7A;
	s5 =	simm.s32 @!p2 $0x0  }
0x1d: {  	s5 =	simm.s32 @p1 $0x1;
	p0 =	seq.s32 s7, s2  }
0x1e: {  	s7 =	smul.u32 @!p0 $0xF7A, s2;
	p2 =	seq.s32 @!p0 s5, $0x0  }
0x1f: {  	s9 =	smul.u32 $0xF7A, s1;
	s8 =	simm.s32 @!p0 $0x1BF5;
	p2 =	por !p2, p0  }
0x20: {  	[sflag:s8] =	ssyncset.s32 @!p0 $0xFFFFF086;
	s6 =	sadd.s32 @!p0 s3, s7;
	s7 =	simm.s32 @!p0 $0x108  }
0x21: {  	s3 =	sadd.s32 s3, s9;
	s6 =	sadd.s32 @!p0 $0x88, s6;
	s7 =	simm.s32 @p2 $0x1082  }
0x22: {  	[simem:s7], [sflag:s8] =	dma.local @!p0 [hbm:s6], $0xF7A  }
0x23: {  	s9 =	sor.u32 $0xD0000000, s2;
	s6 =	simm.s32 $0x108;
	_ =	swait.ge @!p0 [sflag:s8], $0x0  }
0x24: {  	s3 =	sadd.s32 $0x88, s3;
	s6 =	simm.s32 @!p1 $0x1082;
	[sflag:s4] =	ssyncset.s32 $0xFFFFF086  }
0x25: {  	[simem:s6], [sflag:s4] =	dma.local [hbm:s3], $0xF7A  }
0x26: {  	[smem:$0x3F9F] =	sst s1;
	(tag) =	ssettag s2;
	_ =	strace s9  }
0x27: {  	s1 =	sld [smem:$0x3FAF]  }
0x28: {  	s2 =	sld [smem:$0x3FB0]  }
0x29: {  	s4 =	sld [smem:$0x3FB2]  }
0x2a: {  	p0 =	seq.s32 s5, $0x0;
	s5 =	sld [smem:$0x3FB3]  }
0x2b: {  	s6 =	sld [smem:$0x3FB4]  }
0x2c: {  	s7 =	sld [smem:$0x3FB5]  }
0x2d: {  	s3 =	simm.s32 $0x108;
	s8 =	sld [smem:$0x3FB6]  }
0x2e: {  	s3 =	simm.s32 @!p0 $0x1082;
	s9 =	sld [smem:$0x3FB7]  }
0x2f: {  	lr =	sadd.s32 s0, s3;
	s0 =	sld [smem:$0x3FAE]  }
0x30: {  	s3 =	sld [smem:$0x3FB1]  }
0x31: {  	[smem:$0x3FBA] =	sst s10  }
0x32: {  	s10 =	sld [smem:$0x3FB8];
	_ =	sdelay $0x3  }
0x33: {  	p0 =	seq.s32 s10, $0x1;
	s10 =	sld [smem:$0x3FBA];
	_ =	sdelay $0x3  }
0x34: {  	[smem:$0x3FBA] =	sst s10  }
0x35: {  	s10 =	sld [smem:$0x3FB9];
	_ =	sdelay $0x3  }
0x36: {  	p1 =	seq.s32 s10, $0x1;
	s10 =	sld [smem:$0x3FBA];
	_ =	sdelay $0x3  }
0x37: {  	[smem:$0x3FBA] =	sst s10  }
0x38: {  	s10 =	sld [smem:$0x3FBB]  }
0x39: {  	_ = 	snop;
	(pc) =	sbr.ind lr, $3  }
0x3a: {  	_ = 	snop  }
0x3b: {  	_ = 	snop  }
0x3c: {  	p2 =	seq.s32 s10, $0x1;
	s10 =	sld [smem:$0x3FBA]  }
0x3d: {  	_ =	shalt  }
0x3e: {  	_ =	shalt  }
0x3f: {  	_ =	shalt  }
0x40: {  	_ =	shalt  }
0x41: {  	_ =	shalt  }
0x42: {  	_ =	shalt  }
0x43: {  	_ =	shalt  }
0x44: {  	_ =	shalt  }
0x45: {  	_ =	shalt  }
0x46: {  	_ =	shalt  }
0x47: {  	_ =	shalt  }
0x48: {  	_ =	shalt  }
0x49: {  	_ =	shalt  }
0x4a: {  	_ =	shalt  }
0x4b: {  	_ =	shalt  }
0x4c: {  	_ =	shalt  }
0x4d: {  	_ =	shalt  }
0x4e: {  	_ =	shalt  }
0x4f: {  	_ =	shalt  }
0x50: {  	_ =	shalt  }
0x51: {  	_ =	shalt  }
0x52: {  	_ =	shalt  }
0x53: {  	_ =	shalt  }
0x54: {  	_ =	shalt  }
0x55: {  	_ =	shalt  }
0x56: {  	_ =	shalt  }
0x57: {  	_ =	shalt  }
0x58: {  	_ =	shalt  }
0x59: {  	_ =	shalt  }
0x5a: {  	_ =	shalt  }
0x5b: {  	_ =	shalt  }
0x5c: {  	_ =	shalt  }
0x5d: {  	_ =	shalt  }
0x5e: {  	_ =	shalt  }
0x5f: {  	_ =	shalt  }
0x60: {  	_ =	shalt  }
0x61: {  	_ =	shalt  }
0x62: {  	_ =	shalt  }
0x63: {  	_ =	shalt  }
0x64: {  	_ =	shalt  }
0x65: {  	_ =	shalt  }
0x66: {  	_ =	shalt  }
0x67: {  	_ =	shalt  }
0x68: {  	_ =	shalt  }
0x69: {  	_ =	shalt  }
0x6a: {  	_ =	shalt  }
0x6b: {  	_ =	shalt  }
0x6c: {  	_ =	shalt  }
0x6d: {  	_ =	shalt  }
0x6e: {  	_ =	shalt  }
0x6f: {  	_ =	shalt  }
0x70: {  	_ =	shalt  }
0x71: {  	_ =	shalt  }
0x72: {  	_ =	shalt  }
0x73: {  	_ =	shalt  }
0x74: {  	_ =	shalt  }
0x75: {  	_ =	shalt  }
0x76: {  	_ =	shalt  }
0x77: {  	_ =	shalt  }
0x78: {  	_ =	shalt  }
0x79: {  	_ =	shalt  }
0x7a: {  	_ =	shalt  }
0x7b: {  	_ =	shalt  }
0x7c: {  	_ =	shalt  }
0x7d: {  	_ =	shalt  }
0x7e: {  	_ =	shalt  }
0x7f: {  	_ =	shalt  }
0x80: {  	_ =	shalt  }
0x81: {  	_ =	shalt  }
0x82: {  	_ =	shalt  }
0x83: {  	_ =	shalt  }
0x84: {  	_ =	shalt  }
0x85: {  	_ =	shalt  }
0x86: {  	_ =	shalt  }
0x87: {  	_ =	shalt  }
.Lfunc_end0:
.L_simem_size_0:
called_computation_lowered:
.L_overlay_start_0:
0x88: {  	s2 =	sld [smem:$0x3FD9]  }
0x89: {  	s3 =	sld [smem:$0x3FFE];
	_ =	sdelay $0x1  }
0x8a: {  	s1 =	srdreg.scid  }
0x8b: {  	s0 =	sand.u32 $0x1, s1  }
0x8c: {  	s17 =	sshll.u32 s0, $0xA;
	s2 =	sadd.s32 s3, s2  }
0x8d: {  	s2 =	sadd.s32 s2, s17  }
0x8e: {  	[smem:$0x3FC6] =	sst s2  }
0x8f: {  	_ = 	snop  }
0x90: {  	s2 =	sld [smem:$0x3FC9]  }
0x91: {  	s18 =	sld [smem:$0x3FD0];
	(tm) =	ssettm $0x1  }
0x92: {  	s4 =	sld [smem:$0x3FFB];
	_ =	sdelay $0x3  }
0x93: {  	_ =	strace s4  }
0x94: {  	s4 =	sld [smem:$0x3FFC];
	_ =	sdelay $0x3  }
0x95: {  	_ =	strace s4  }
0x96: {  	s4 =	sld [smem:$0x3FFD];
	_ =	sdelay $0x3  }
0x97: {  	_ =	strace s4  }
0x98: {  	_ =	strace $0x8FFFFFFF  }
0x99: {  	s19 =	sld [smem:$0x3FDB];
	_ =	sdelay $0x1  }
0x9a: {  	s5 =	simm.s32 $_scs_section_size  }
0x9b: {  	s6 =	simm.s32 $_size__tile_overlayer_lowered;
	s7 =	simm.s32 $_tile_overlayer_lowered  }
0x9c: {  	s22 =	simm.s32 $0x1BFF;
	s21 =	sshll.u32 s7, $0x1;
	s4 =	sadd.s32 s5, s19  }
0x9d: {  	s8 =	simm.s32 $0x0;
	s20 =	sshll.u32 s6, $0x1;
	s6 =	sadd.s32 s21, s4  }
0x9e: {  	[timem:s8], [sflag:s22] =	dma.local [hbm:s6], s20  }
0x9f: {  	_ =	swait.ge [sflag:s22], s20  }
0xa0: {  	s5 =	ssub.s32 $0x0, s20;
	[sflag:s22] =	ssyncset.done $0x0  }
0xa1: {  	[sflag:s22] =	ssyncadd.s32 s5;
	_ =	sdelay $0x1  }
0xa2: {  	s23 =	simm.s32 $0x1B8B  }
0xa3: {  	_ =	swait.ge [sflag:s23], $0x1  }
0xa4: {  	[sflag:s23] =	ssyncset.done $0x0  }
0xa5: {  	s25 =	simm.s32 $0x1B8E;
	s24 =	sld [smem:$0x3FFE];
	[sflag:s23] =	ssyncadd.s32 $0xFFFFFFFF  }
0xa6: {  	s26 =	simm.s32 $execute0_lowered;
	[smem:$0x3FD2] =	sst s25  }
0xa7: {  	s6 =	sshll.u32 s26, $0x1;
	_ =	strace $0x80000046;
	[dreg:$0x1] =	wrdreg $0xFFFFFFFF  }
0xa8: {  	s28 =	simm.s32 $_size_execute0_lowered;
	s4 =	sadd.s32 s4, s6;
	[dreg:$0x0] =	wrdreg $0x0  }
0xa9: {  	s6 =	sshll.u32 s28, $0x1;
	[dreg:$0x2] =	wrdreg s4  }
0xaa: {  	[dreg:$0x3] =	wrdreg s6  }
0xab: {  	[dreg:$0x4] =	wrdreg $0xC0  }
0xac: {  	_ =	task [dreg:s8], $0x5FFFF  }
0xad: {  	[dreg:$0x1] =	wrdreg $0xFFFFFFFF  }
0xae: {  	[dreg:$0x0] =	wrdreg $0x60  }
0xaf: {  	[dreg:$0x2] =	wrdreg s2  }
0xb0: {  	[dreg:$0x3] =	wrdreg s24  }
0xb1: {  	[dreg:$0x4] =	wrdreg s18  }
0xb2: {  	[dreg:$0x5] =	wrdreg $0x9  }
0xb3: {  	_ =	task.clear_ibuf [dreg:s8], $0x6FFFF;
	_ =	strace $0x90000046  }
0xb4: {  	s29 =	simm.s32 $0x9;
	_ =	strace $0x80000048  }
0xb5: {  	_ =	swait.ge [sflag:s29], $0x1  }
0xb6: {  	[sflag:s29] =	ssyncadd.s32 $0xFFFFFFFF  }
0xb7: {  	_ =	strace $0x90000048  }
0xb8: {  	_ =	sfence  }
0xb9: {  	s30 =	sld [smem:$0x0];
	_ =	sdelay $0x2  }
0xba: {  	s31 =	sshll.u32 s1, $0xD;
	s1 =	sshrl.u32 s1, $0x2  }
0xbb: {  	s3 =	sand.u32 $0x4000, s31;
	s1 =	sadd.s32 s1, s30  }
0xbc: {  	s0 =	sor.u32 s3, s0;
	s1 =	sshll.u32 s1, $0x11  }
0xbd: {  	s0 =	sor.u32 s1, s0  }
0xbe: {  	s0 =	sadd.s32 $0x8F2B, s0  }
0xbf: {  	[sflag:s0] =	ssyncadd.remote.s32 $0x1  }
0xc0: {  	_ =	sfence.sel $0xFFFF  }
0xc1: {  	[dreg:$0x0] =	wrdreg $0xFFFFFFFF;
	(pc) =	sbr.abs _section_cstart, $3  }
0xc2: {  	[dreg:$0x1] =	wrdreg $0xFFFFFFFF  }
0xc3: {  	_ =	task.clear_ibuf [dreg:s8], $0x2FFFF;
	_ =	strace $0x9FFFFFFF  }
0xc4: {  	(tm) =	ssettm $0x7FFFFFFF  }
0xc5: {  	_ =	shalt  }
tec
execute0_lowered:
.L_overlay_start_1:
0x0: {  	(tag) =	ssettag $0x1  }
0x1: {  	s10 =	rddreg [dreg:$0x0]  }
0x2: {  	s4 =	rddreg [dreg:$0x1]  }
0x3: {  	s12 =	rddreg [dreg:$0x2];
	s1 =	simm.s32 $0x0  }
0x4: {  	s5 =	srdreg.scid;
	s0 =	stileid.u32;
	s16 =	simm.s32 $0x8800  }
0x5: {  	s17 =	simm.s32 $0xC800;
	s18 =	simm.s32 $0x800;
	s19 =	simm.s32 $0x4800  }
0x6: {  	s20 =	simm.s32 $0x1;
	s21 =	simm.s32 $0x2;
	s22 =	simm.s32 $0x3  }
0x7: {  	s23 =	simm.s32 $0x4;
	s24 =	simm.s32 $0x0;
	[smem:$0x7FF] =	sst s1  }
0x8: {  	s3 =	sadd.s32 $0xE00, s4;
	s5 =	sand.u32 $0x1, s5;
	s7 =	sshll.u32 s0, $0xE  }
0x9: {  	v16 =	vlaneseq.u32;
	s4 =	sadd.s32 $0xC00, s4;
	s6 =	ssub.s32 $0x2, s5;
	s5 =	sshll.u32 s5, $0xD  }
0xa: {  	v0 =	vimm.f32 $0.0e+00;
	v1 =	vadd.s32 $0x1C6F, v16;
	_ =	strace $0x80000047;
	s8 =	sshrl.u32 s6, $0x1;
	s11 =	sor.u32 s5, s7  }
0xb: {  	v2 =	vadd.s32 $0x1CEF, v16;
	v3 =	vadd.s32 $0x1D6F, v16;
	v4 =	vadd.s32 $0x1DEF, v16;
	s13 =	ssub.s32 s6, s8;
	s5 =	sadd.s32 s10, s11;
	s9 =	sor.u32 $0x800, s11  }
0xc: {  	v5 =	vadd.s32 $0x1E6F, v16;
	v6 =	vadd.s32 $0x1EEF, v16;
	v7 =	vadd.s32 $0x1F6F, v16;
	s7 =	sadd.s32 s12, s11;
	s14 =	sor.u32 $0x1000, s11;
	s15 =	sor.u32 $0x1800, s11  }
0xd: {  	v8 =	vadd.s32 $0x1FEF, v16;
	v9 =	vadd.s32 $0x3C6F, v16;
	v10 =	vadd.s32 $0x3CEF, v16;
	s6 =	sadd.s32 s10, s9;
	s8 =	sadd.s32 s10, s14;
	s9 =	sadd.s32 s12, s9  }
0xe: {  	v11 =	vadd.s32 $0x3D6F, v16;
	v12 =	vadd.s32 $0x3DEF, v16;
	v13 =	vadd.s32 $0x3E6F, v16;
	s10 =	sadd.s32 s10, s15;
	s11 =	sadd.s32 s12, s14;
	s12 =	sadd.s32 s12, s15  }
0xf: {  	v14 =	vadd.s32 $0x3EEF, v16;
	v15 =	vadd.s32 $0x3F6F, v16;
	v16 =	vadd.s32 $0x3FEF, v16;
	s13 =	smax.u32 s13, $0x1;
	s14 =	simm.s32 $0x5;
	s15 =	simm.s32 $0x400  }
.LBB2_1:
0x10: {  	[tilespmem:s1], [sflag:$0x5] =	stream.linear.gather [hbm4b:s3+s1], $0x400, $0x38;
	[tilespmem:$0x10800] =	vst v63  }
0x11: {  	_ =	swait.ge [sflag:s14], $0x400  }
0x12: {  	[sflag:s14] =	ssyncset.done $0x0  }
0x13: {  	[sflag:s14] =	ssyncadd.s32 $0xFFFFFC00  }
0x14: {  	[tilespmem:s15], [sflag:$0x5] =	stream.linear.gather [hbm4b:s4+s1], $0x400, $0x38;
	[tilespmem:$0x10800] =	vst v63  }
0x15: {  	_ =	swait.ge [sflag:s14], $0x400  }
0x16: {  	s25 =	sand.u32 $0x70, s1;
	s26 =	sand.u32 $0x1C00, s1;
	[sflag:s14] =	ssyncset.done $0x0  }
0x17: {  	s25 =	sor.u32 s25, s26;
	[sflag:s14] =	ssyncadd.s32 $0xFFFFFC00  }
0x18: {  	[tilespmem:s25+$0x8880] =	vst v0  }
0x19: {  	[tilespmem:s25+$0x8900] =	vst v0  }
0x1a: {  	[tilespmem:s25+$0x8980] =	vst v0  }
0x1b: {  	[tilespmem:s25+$0x8A00] =	vst v0  }
0x1c: {  	[tilespmem:s25+$0x8A80] =	vst v0  }
0x1d: {  	s29 =	sor.u32 s1, s1;
	s28 =	simm.s32 $0x0;
	s26 =	simm.s32 $0x10;
	[tilespmem:s25+$0x8B00] =	vst v0  }
.LBB2_2:
0x1e: {  	p0 =	sne.s32 s26, $0x3E0;
	[tilespmem:s25+$0x8800] =	vst v0;
	s29 =	sor.u32 $0x380, s29  }
0x1f: {  	[tilespmem:s29+$0x8800] =	vst v0  }
0x20: {  	[tilespmem:s25+$0xA800] =	vst v0  }
0x21: {  	[tilespmem:s25+$0xA880] =	vst v0  }
0x22: {  	[tilespmem:s25+$0xA900] =	vst v0  }
0x23: {  	[tilespmem:s25+$0xA980] =	vst v0  }
0x24: {  	[tilespmem:s25+$0xAA00] =	vst v0  }
0x25: {  	s28 =	sadd.s32 $0x80, s28;
	[tilespmem:s25+$0xAA80] =	vst v0  }
0x26: {  	s29 =	sand.u32 $0x70, s26;
	s30 =	sand.u32 $0x1C00, s28;
	[tilespmem:s25+$0xAB00] =	vst v0  }
0x27: {  	[tilespmem:s25+$0xAB80] =	vst v0;
	s25 =	sor.u32 s29, s30  }
0x28: {  	[tilespmem:s25+$0x8880] =	vst v0  }
.Ltmp0:
0x29: {  	[tilespmem:s25+$0x8900] =	vst v0;
	(pc) =	sbr.rel @p0 .LBB2_2-.Ltmp0, $4  }
0x2a: {  	[tilespmem:s25+$0x8980] =	vst v0  }
0x2b: {  	[tilespmem:s25+$0x8A00] =	vst v0  }
0x2c: {  	[tilespmem:s25+$0x8A80] =	vst v0  }
0x2d: {  	s29 =	sor.u32 s28, s26;
	s26 =	sadd.s32 $0x10, s26;
	[tilespmem:s25+$0x8B00] =	vst v0  }
0x2e: {  	[tilespmem:s25+$0x8800] =	vst v0;
	s26 =	sor.u32 $0x380, s29  }
0x2f: {  	[tilespmem:s26+$0x8800] =	vst v0  }
0x30: {  	[tilespmem:s25+$0xA800] =	vst v0  }
0x31: {  	[tilespmem:s25+$0xA880] =	vst v0  }
0x32: {  	[tilespmem:s25+$0xA900] =	vst v0  }
0x33: {  	[tilespmem:s25+$0xA980] =	vst v0  }
0x34: {  	[tilespmem:s25+$0xAA00] =	vst v0  }
0x35: {  	[tilespmem:s25+$0xAA80] =	vst v0  }
0x36: {  	[tilespmem:s25+$0xAB00] =	vst v0  }
0x37: {  	[tilespmem:s25+$0xAB80] =	vst v0  }
0x38: {  	[tilespmem:v1+s16+$0x0] =	vst.idx.msk $0xffff, v0  }
0x39: {  	[tilespmem:v2+s16+$0x0] =	vst.idx.msk $0xffff, v0  }
0x3a: {  	[tilespmem:v3+s16+$0x0] =	vst.idx.msk $0xffff, v0  }
0x3b: {  	[tilespmem:v4+s16+$0x0] =	vst.idx.msk $0xffff, v0  }
0x3c: {  	[tilespmem:v5+s16+$0x0] =	vst.idx.msk $0xffff, v0  }
0x3d: {  	[tilespmem:v6+s16+$0x0] =	vst.idx.msk $0xffff, v0  }
0x3e: {  	[tilespmem:v7+s16+$0x0] =	vst.idx.msk $0xffff, v0  }
0x3f: {  	[tilespmem:v8+s16+$0x0] =	vst.idx.msk $0xffff, v0  }
0x40: {  	[tilespmem:v9+s16+$0x0] =	vst.idx.msk $0xffff, v0  }
0x41: {  	[tilespmem:v10+s16+$0x0] =	vst.idx.msk $0xffff, v0  }
0x42: {  	[tilespmem:v11+s16+$0x0] =	vst.idx.msk $0xffff, v0  }
0x43: {  	[tilespmem:v12+s16+$0x0] =	vst.idx.msk $0xffff, v0  }
0x44: {  	[tilespmem:v13+s16+$0x0] =	vst.idx.msk $0xffff, v0  }
0x45: {  	s26 =	simm.s32 $0x0;
	[tilespmem:v14+s16+$0x0] =	vst.idx.msk $0xffff, v0  }
0x46: {  	s31 =	sand.u32 $0x70, s26;
	s28 =	sand.u32 $0x1C00, s26;
	[tilespmem:v15+s16+$0x0] =	vst.idx.msk $0xffff, v0  }
0x47: {  	s25 =	sor.u32 s31, s28;
	[tilespmem:v16+s16+$0x0] =	vst.idx.msk $0xffff, v0  }
0x48: {  	[tilespmem:s25+$0xC880] =	vst v0  }
0x49: {  	[tilespmem:s25+$0xC900] =	vst v0  }
0x4a: {  	[tilespmem:s25+$0xC980] =	vst v0  }
0x4b: {  	[tilespmem:s25+$0xCA00] =	vst v0  }
0x4c: {  	[tilespmem:s25+$0xCA80] =	vst v0  }
0x4d: {  	s29 =	sor.u32 s26, s26;
	s28 =	simm.s32 $0x10;
	[tilespmem:s25+$0xCB00] =	vst v0  }
.LBB2_4:
0x4e: {  	p0 =	sne.s32 s28, $0x3E0;
	[tilespmem:s25+$0xC800] =	vst v0;
	s29 =	sor.u32 $0x380, s29  }
0x4f: {  	[tilespmem:s29+$0xC800] =	vst v0  }
0x50: {  	[tilespmem:s25+$0xE800] =	vst v0  }
0x51: {  	[tilespmem:s25+$0xE880] =	vst v0  }
0x52: {  	[tilespmem:s25+$0xE900] =	vst v0  }
0x53: {  	[tilespmem:s25+$0xE980] =	vst v0  }
0x54: {  	[tilespmem:s25+$0xEA00] =	vst v0  }
0x55: {  	s26 =	sadd.s32 $0x80, s26;
	[tilespmem:s25+$0xEA80] =	vst v0  }
0x56: {  	s29 =	sand.u32 $0x70, s28;
	s30 =	sand.u32 $0x1C00, s26;
	[tilespmem:s25+$0xEB00] =	vst v0  }
0x57: {  	[tilespmem:s25+$0xEB80] =	vst v0;
	s25 =	sor.u32 s29, s30  }
0x58: {  	[tilespmem:s25+$0xC880] =	vst v0  }
.Ltmp1:
0x59: {  	[tilespmem:s25+$0xC900] =	vst v0;
	(pc) =	sbr.rel @p0 .LBB2_4-.Ltmp1, $4  }
0x5a: {  	[tilespmem:s25+$0xC980] =	vst v0  }
0x5b: {  	[tilespmem:s25+$0xCA00] =	vst v0  }
0x5c: {  	[tilespmem:s25+$0xCA80] =	vst v0  }
0x5d: {  	s29 =	sor.u32 s26, s28;
	s28 =	sadd.s32 $0x10, s28;
	[tilespmem:s25+$0xCB00] =	vst v0  }
0x5e: {  	[tilespmem:s25+$0xC800] =	vst v0;
	s26 =	sor.u32 $0x380, s29  }
0x5f: {  	[tilespmem:s26+$0xC800] =	vst v0  }
0x60: {  	[tilespmem:s25+$0xE800] =	vst v0  }
0x61: {  	[tilespmem:s25+$0xE880] =	vst v0  }
0x62: {  	[tilespmem:s25+$0xE900] =	vst v0  }
0x63: {  	[tilespmem:s25+$0xE980] =	vst v0  }
0x64: {  	[tilespmem:s25+$0xEA00] =	vst v0  }
0x65: {  	[tilespmem:s25+$0xEA80] =	vst v0  }
0x66: {  	[tilespmem:s25+$0xEB00] =	vst v0  }
0x67: {  	[tilespmem:s25+$0xEB80] =	vst v0  }
0x68: {  	[tilespmem:v1+s17+$0x0] =	vst.idx.msk $0xffff, v0  }
0x69: {  	[tilespmem:v2+s17+$0x0] =	vst.idx.msk $0xffff, v0  }
0x6a: {  	[tilespmem:v3+s17+$0x0] =	vst.idx.msk $0xffff, v0  }
0x6b: {  	[tilespmem:v4+s17+$0x0] =	vst.idx.msk $0xffff, v0  }
0x6c: {  	[tilespmem:v5+s17+$0x0] =	vst.idx.msk $0xffff, v0  }
0x6d: {  	[tilespmem:v6+s17+$0x0] =	vst.idx.msk $0xffff, v0  }
0x6e: {  	[tilespmem:v7+s17+$0x0] =	vst.idx.msk $0xffff, v0  }
0x6f: {  	[tilespmem:v8+s17+$0x0] =	vst.idx.msk $0xffff, v0  }
0x70: {  	[tilespmem:v9+s17+$0x0] =	vst.idx.msk $0xffff, v0  }
0x71: {  	[tilespmem:v10+s17+$0x0] =	vst.idx.msk $0xffff, v0  }
0x72: {  	[tilespmem:v11+s17+$0x0] =	vst.idx.msk $0xffff, v0  }
0x73: {  	[tilespmem:v12+s17+$0x0] =	vst.idx.msk $0xffff, v0  }
0x74: {  	[tilespmem:v13+s17+$0x0] =	vst.idx.msk $0xffff, v0  }
0x75: {  	[tilespmem:v14+s17+$0x0] =	vst.idx.msk $0xffff, v0  }
0x76: {  	[tilespmem:v15+s17+$0x0] =	vst.idx.msk $0xffff, v0  }
0x77: {  	s25 =	simm.s32 $0x0;
	[tilespmem:v16+s17+$0x0] =	vst.idx.msk $0xffff, v0  }
0x78: {  	[tilespmem:s18], [sflag:$0x1] =	stream.linear.gather [hbm4b:s5+s25], $0x4000, $0x38;
	[tilespmem:$0x10800] =	vst v63  }
0x79: {  	_ = 	snop  }
0x7a: {  	[tilespmem:s19], [sflag:$0x2] =	stream.linear.gather [hbm4b:s6+s25], $0x4000, $0x38;
	[tilespmem:$0x10800] =	vst v63  }
0x7b: {  	_ =	swait.ge [sflag:s20], $0x4000  }
0x7c: {  	[sflag:s20] =	ssyncset.done $0x0  }
0x7d: {  	s0 =	sor.u32 s25, s25;
	[sflag:s20] =	ssyncadd.s32 $0xFFFFC000  }
0x7e: {  	s28 =	sand.u32 $0x70, s25;
	s2 =	sand.u32 $0x1C00, s25;
	s26 =	sor.u32 $0x380, s0;
	v17 =	vld [tilespmem:s25+$0x0]  }
0x7f: {  	s28 =	sor.u32 s28, s2;
	v18 =	vld [tilespmem:s26+$0x800]  }
0x80: {  	v19 =	vld [tilespmem:s28+$0x2800]  }
0x81: {  	v20 =	vld [tilespmem:s28+$0x2880]  }
0x82: {  	v21 =	vld [tilespmem:s28+$0x2B80]  }
0x83: {  	v22 =	vld [tilespmem:s28+$0x2900]  }
0x84: {  	v23 =	vld [tilespmem:s28+$0x2980]  }
0x85: {  	v24 =	vld [tilespmem:s28+$0x2A00]  }
0x86: {  	v25 =	vld [tilespmem:s28+$0x2A80]  }
0x87: {  	s31 =	simm.s32 $0x400;
	v26 =	vld [tilespmem:s28+$0x2B00]  }
0x88: {  	v27 =	vld [tilespmem:s31+$0x0]  }
0x89: {  	v28 =	vld [tilespmem:s28+$0x800];
	v29 =	vshll.u32 v17, $0x3  }
0x8a: {  	v30 =	vld [tilespmem:s28+$0x880];
	v17 =	vand.u32 $0x7F, v17;
	v29 =	vand.u32 $0xFFFFFC00, v29  }
0x8b: {  	v31 =	vld [tilespmem:s28+$0x900];
	v29 =	vor.u32 v17, v29  }
0x8c: {  	v17 =	vld [tilespmem:s28+$0x980];
	v32 =	vor.u32 $0x80, v29  }
0x8d: {  	v33 =	vld [tilespmem:s28+$0xA00];
	v34 =	vor.u32 $0x100, v29  }
0x8e: {  	v35 =	vld [tilespmem:s28+$0xA80];
	v28 =	vmul.f32 v28, v27;
	v36 =	vor.u32 $0x180, v29  }
0x8f: {  	v37 =	vld [tilespmem:s28+$0xB00];
	v30 =	vmul.f32 v30, v27;
	v38 =	vor.u32 $0x200, v29  }
0x90: {  	v31 =	vmul.f32 v31, v27;
	v53 =	vor.u32 $0x280, v29;
	[tilespmem:v29+s16+$0x0] =	vst.idx.add.f32.msk $0xffff, v28  }
0x91: {  	v54 =	vor.u32 $0x300, v29;
	v17 =	vmul.f32 v17, v27;
	[tilespmem:v32+s16+$0x0] =	vst.idx.add.f32.msk $0xffff, v30  }
0x92: {  	v55 =	vmul.f32 v33, v27;
	v56 =	vor.u32 $0x380, v29;
	[tilespmem:v34+s16+$0x0] =	vst.idx.add.f32.msk $0xffff, v31  }
0x93: {  	v57 =	vmul.f32 v35, v27;
	[tilespmem:v36+s16+$0x0] =	vst.idx.add.f32.msk $0xffff, v17;
	v17 =	vadd.s32 $0x2000, v29  }
0x94: {  	v58 =	vmul.f32 v37, v27;
	v59 =	vadd.s32 $0x2080, v29;
	[tilespmem:v38+s16+$0x0] =	vst.idx.add.f32.msk $0xffff, v55  }
0x95: {  	v18 =	vmul.f32 v18, v27;
	v60 =	vadd.s32 $0x2100, v29;
	[tilespmem:v53+s16+$0x0] =	vst.idx.add.f32.msk $0xffff, v57  }
0x96: {  	v19 =	vmul.f32 v19, v27;
	v61 =	vadd.s32 $0x2180, v29;
	[tilespmem:v54+s16+$0x0] =	vst.idx.add.f32.msk $0xffff, v58  }
0x97: {  	v20 =	vmul.f32 v20, v27;
	[tilespmem:v56+s16+$0x0] =	vst.idx.add.f32.msk $0xffff, v18;
	v18 =	vadd.s32 $0x2200, v29  }
0x98: {  	v22 =	vmul.f32 v22, v27;
	[tilespmem:v17+s16+$0x0] =	vst.idx.add.f32.msk $0xffff, v19  }
0x99: {  	v17 =	vadd.s32 $0x2280, v29;
	v19 =	vmul.f32 v23, v27;
	[tilespmem:v59+s16+$0x0] =	vst.idx.add.f32.msk $0xffff, v20  }
0x9a: {  	v62 =	vmul.f32 v24, v27;
	v20 =	vadd.s32 $0x2300, v29;
	[tilespmem:v60+s16+$0x0] =	vst.idx.add.f32.msk $0xffff, v22  }
0x9b: {  	[tilespmem:v61+s16+$0x0] =	vst.idx.add.f32.msk $0xffff, v19  }
0x9c: {  	v63 =	vmul.f32 v25, v27;
	[tilespmem:v18+s16+$0x0] =	vst.idx.add.f32.msk $0xffff, v62;
	v18 =	vadd.s32 $0x2380, v29  }
0x9d: {  	v19 =	vmul.f32 v26, v27  }
0x9e: {  	[tilespmem:v17+s16+$0x0] =	vst.idx.add.f32.msk $0xffff, v63  }
0x9f: {  	s30 =	simm.s32 $0x10;
	s26 =	simm.s32 $0x80;
	s28 =	simm.s32 $0x410;
	v17 =	vmul.f32 v21, v27;
	[tilespmem:v20+s16+$0x0] =	vst.idx.add.f32.msk $0xffff, v19  }
.LBB2_6:
0xa0: {  	s31 =	sor.u32 s26, s30  }
0xa1: {  	[tilespmem:v18+s16+$0x0] =	vst.idx.add.f32.msk $0xffff, v17;
	s25 =	sadd.s32 $0x10, s25;
	s0 =	smov.u32 s30;
	s29 =	sadd.s32 $0x10, s30  }
0xa2: {  	s2 =	sand.u32 $0x1C00, s26;
	s0 =	sand.u32 $0x70, s0;
	v17 =	vld [tilespmem:s25+$0x0];
	s31 =	sor.u32 $0x380, s31  }
0xa3: {  	p0 =	sne.s32 s30, $0x3F0;
	s0 =	sor.u32 s0, s2;
	v18 =	vld [tilespmem:s31+$0x800]  }
0xa4: {  	v19 =	vld [tilespmem:s0+$0x2800]  }
0xa5: {  	v20 =	vld [tilespmem:s0+$0x2880]  }
0xa6: {  	v21 =	vld [tilespmem:s0+$0x2B80]  }
0xa7: {  	v22 =	vld [tilespmem:s0+$0x2900]  }
0xa8: {  	v23 =	vld [tilespmem:s0+$0x2980]  }
0xa9: {  	v24 =	vld [tilespmem:s0+$0x2A00]  }
0xaa: {  	v25 =	vld [tilespmem:s0+$0x2A80]  }
0xab: {  	v26 =	vld [tilespmem:s0+$0x2B00]  }
0xac: {  	v27 =	vld [tilespmem:s28+$0x0]  }
0xad: {  	v29 =	vshll.u32 v17, $0x3;
	v28 =	vld [tilespmem:s0+$0x800]  }
0xae: {  	v17 =	vand.u32 $0x7F, v17;
	v29 =	vand.u32 $0xFFFFFC00, v29;
	v30 =	vld [tilespmem:s0+$0x880]  }
0xaf: {  	v29 =	vor.u32 v17, v29;
	v31 =	vld [tilespmem:s0+$0x900]  }
0xb0: {  	v32 =	vor.u32 $0x80, v29;
	v17 =	vld [tilespmem:s0+$0x980]  }
0xb1: {  	v34 =	vor.u32 $0x100, v29;
	v33 =	vld [tilespmem:s0+$0xA00];
	v18 =	vmul.f32 v18, v27;
	v19 =	vmul.f32 v19, v27  }
0xb2: {  	v36 =	vor.u32 $0x180, v29;
	v20 =	vmul.f32 v20, v27;
	v28 =	vmul.f32 v28, v27;
	v35 =	vld [tilespmem:s0+$0xA80]  }
0xb3: {  	v38 =	vor.u32 $0x200, v29;
	v22 =	vmul.f32 v22, v27;
	v30 =	vmul.f32 v30, v27;
	v37 =	vld [tilespmem:s0+$0xB00]  }
0xb4: {  	v23 =	vmul.f32 v23, v27;
	v31 =	vmul.f32 v31, v27;
	[tilespmem:v29+s16+$0x0] =	vst.idx.add.f32.msk $0xffff, v28;
	v28 =	vor.u32 $0x280, v29  }
0xb5: {  	v24 =	vmul.f32 v24, v27;
	v17 =	vmul.f32 v17, v27;
	[tilespmem:v32+s16+$0x0] =	vst.idx.add.f32.msk $0xffff, v30;
	v30 =	vor.u32 $0x300, v29  }
0xb6: {  	v25 =	vmul.f32 v25, v27;
	v32 =	vmul.f32 v33, v27;
	[tilespmem:v34+s16+$0x0] =	vst.idx.add.f32.msk $0xffff, v31;
	v31 =	vor.u32 $0x380, v29  }
0xb7: {  	v26 =	vmul.f32 v26, v27;
	v34 =	vadd.s32 $0x2000, v29;
	v33 =	vmul.f32 v35, v27;
	[tilespmem:v36+s16+$0x0] =	vst.idx.add.f32.msk $0xffff, v17  }
0xb8: {  	v17 =	vmul.f32 v21, v27;
	v21 =	vadd.s32 $0x2080, v29;
	v35 =	vmul.f32 v37, v27;
	[tilespmem:v38+s16+$0x0] =	vst.idx.add.f32.msk $0xffff, v32  }
0xb9: {  	v27 =	vadd.s32 $0x2100, v29;
	[tilespmem:v28+s16+$0x0] =	vst.idx.add.f32.msk $0xffff, v33  }
0xba: {  	v28 =	vadd.s32 $0x2180, v29;
	[tilespmem:v30+s16+$0x0] =	vst.idx.add.f32.msk $0xffff, v35  }
0xbb: {  	v30 =	vadd.s32 $0x2200, v29;
	[tilespmem:v31+s16+$0x0] =	vst.idx.add.f32.msk $0xffff, v18  }
0xbc: {  	[tilespmem:v34+s16+$0x0] =	vst.idx.add.f32.msk $0xffff, v19;
	v19 =	vadd.s32 $0x2280, v29  }
0xbd: {  	[tilespmem:v21+s16+$0x0] =	vst.idx.add.f32.msk $0xffff, v20;
	v20 =	vadd.s32 $0x2300, v29  }
.Ltmp2:
0xbe: {  	v18 =	vadd.s32 $0x2380, v29;
	[tilespmem:v27+s16+$0x0] =	vst.idx.add.f32.msk $0xffff, v22;
	(pc) =	sbr.rel @p0 .LBB2_6-.Ltmp2, $4  }
0xbf: {  	[tilespmem:v28+s16+$0x0] =	vst.idx.add.f32.msk $0xffff, v23  }
0xc0: {  	[tilespmem:v30+s16+$0x0] =	vst.idx.add.f32.msk $0xffff, v24  }
0xc1: {  	[tilespmem:v19+s16+$0x0] =	vst.idx.add.f32.msk $0xffff, v25  }
0xc2: {  	s26 =	sadd.s32 $0x80, s26;
	s30 =	smov.u32 s29;
	s28 =	sadd.s32 $0x10, s28;
	[tilespmem:v20+s16+$0x0] =	vst.idx.add.f32.msk $0xffff, v26  }
0xc3: {  	_ =	sdelay $0x3  }
0xc4: {  	[tilespmem:v18+s16+$0x0] =	vst.idx.add.f32.msk $0xffff, v17;
	s25 =	simm.s32 $0x0  }
0xc5: {  	[hbm4b:s7+s25] =	stream.linear.scatter [tilespmem:s16], [sflag:$0x3], $0x4000, $0x38;
	[tilespmem:$0x10800] =	vst v63  }
0xc6: {  	_ = 	snop  }
0xc7: {  	[tilespmem:s18], [sflag:$0x1] =	stream.linear.gather [hbm4b:s8+s25], $0x4000, $0x38;
	[tilespmem:$0x10800] =	vst v63  }
0xc8: {  	_ =	swait.ge [sflag:s21], $0x4000  }
0xc9: {  	[sflag:s21] =	ssyncset.done $0x0  }
0xca: {  	s0 =	sor.u32 s25, s25;
	[sflag:s21] =	ssyncadd.s32 $0xFFFFC000  }
0xcb: {  	s2 =	sand.u32 $0x70, s25;
	s26 =	sand.u32 $0x1C00, s25;
	s0 =	sor.u32 $0x380, s0;
	v17 =	vld [tilespmem:s25+$0x0]  }
0xcc: {  	s2 =	sor.u32 s2, s26;
	v18 =	vld [tilespmem:s0+$0x4800]  }
0xcd: {  	v19 =	vld [tilespmem:s2+$0x6800]  }
0xce: {  	v20 =	vld [tilespmem:s2+$0x6880]  }
0xcf: {  	v21 =	vld [tilespmem:s2+$0x6B80]  }
0xd0: {  	v22 =	vld [tilespmem:s2+$0x6900]  }
0xd1: {  	v23 =	vld [tilespmem:s2+$0x6980]  }
0xd2: {  	v24 =	vld [tilespmem:s2+$0x6A00]  }
0xd3: {  	v25 =	vld [tilespmem:s2+$0x6A80]  }
0xd4: {  	s31 =	simm.s32 $0x400;
	v26 =	vld [tilespmem:s2+$0x6B00]  }
0xd5: {  	v27 =	vld [tilespmem:s31+$0x0]  }
0xd6: {  	v28 =	vld [tilespmem:s2+$0x4800];
	v29 =	vshll.u32 v17, $0x3  }
0xd7: {  	v30 =	vld [tilespmem:s2+$0x4880];
	v17 =	vand.u32 $0x7F, v17;
	v29 =	vand.u32 $0xFFFFFC00, v29  }
0xd8: {  	v31 =	vld [tilespmem:s2+$0x4900];
	v29 =	vor.u32 v17, v29  }
0xd9: {  	v17 =	vld [tilespmem:s2+$0x4980];
	v32 =	vor.u32 $0x80, v29  }
0xda: {  	v33 =	vld [tilespmem:s2+$0x4A00];
	v34 =	vor.u32 $0x100, v29  }
0xdb: {  	v35 =	vld [tilespmem:s2+$0x4A80];
	v28 =	vmul.f32 v28, v27;
	v36 =	vor.u32 $0x180, v29  }
0xdc: {  	v37 =	vld [tilespmem:s2+$0x4B00];
	v30 =	vmul.f32 v30, v27;
	v38 =	vor.u32 $0x200, v29  }
0xdd: {  	v31 =	vmul.f32 v31, v27;
	v53 =	vor.u32 $0x280, v29;
	[tilespmem:v29+s17+$0x0] =	vst.idx.add.f32.msk $0xffff, v28  }
0xde: {  	v54 =	vor.u32 $0x300, v29;
	v17 =	vmul.f32 v17, v27;
	[tilespmem:v32+s17+$0x0] =	vst.idx.add.f32.msk $0xffff, v30  }
0xdf: {  	v55 =	vmul.f32 v33, v27;
	v56 =	vor.u32 $0x380, v29;
	[tilespmem:v34+s17+$0x0] =	vst.idx.add.f32.msk $0xffff, v31  }
0xe0: {  	v57 =	vmul.f32 v35, v27;
	[tilespmem:v36+s17+$0x0] =	vst.idx.add.f32.msk $0xffff, v17;
	v17 =	vadd.s32 $0x2000, v29  }
0xe1: {  	v58 =	vmul.f32 v37, v27;
	v59 =	vadd.s32 $0x2080, v29;
	[tilespmem:v38+s17+$0x0] =	vst.idx.add.f32.msk $0xffff, v55  }
0xe2: {  	v18 =	vmul.f32 v18, v27;
	v60 =	vadd.s32 $0x2100, v29;
	[tilespmem:v53+s17+$0x0] =	vst.idx.add.f32.msk $0xffff, v57  }
0xe3: {  	v19 =	vmul.f32 v19, v27;
	v61 =	vadd.s32 $0x2180, v29;
	[tilespmem:v54+s17+$0x0] =	vst.idx.add.f32.msk $0xffff, v58  }
0xe4: {  	v20 =	vmul.f32 v20, v27;
	[tilespmem:v56+s17+$0x0] =	vst.idx.add.f32.msk $0xffff, v18;
	v18 =	vadd.s32 $0x2200, v29  }
0xe5: {  	v22 =	vmul.f32 v22, v27;
	[tilespmem:v17+s17+$0x0] =	vst.idx.add.f32.msk $0xffff, v19  }
0xe6: {  	v17 =	vadd.s32 $0x2280, v29;
	v19 =	vmul.f32 v23, v27;
	[tilespmem:v59+s17+$0x0] =	vst.idx.add.f32.msk $0xffff, v20  }
0xe7: {  	v62 =	vmul.f32 v24, v27;
	v20 =	vadd.s32 $0x2300, v29;
	[tilespmem:v60+s17+$0x0] =	vst.idx.add.f32.msk $0xffff, v22  }
0xe8: {  	[tilespmem:v61+s17+$0x0] =	vst.idx.add.f32.msk $0xffff, v19  }
0xe9: {  	v63 =	vmul.f32 v25, v27;
	[tilespmem:v18+s17+$0x0] =	vst.idx.add.f32.msk $0xffff, v62;
	v18 =	vadd.s32 $0x2380, v29  }
0xea: {  	v19 =	vmul.f32 v26, v27  }
0xeb: {  	[tilespmem:v17+s17+$0x0] =	vst.idx.add.f32.msk $0xffff, v63  }
0xec: {  	s30 =	simm.s32 $0x10;
	s28 =	simm.s32 $0x410;
	s26 =	simm.s32 $0x80;
	v17 =	vmul.f32 v21, v27;
	[tilespmem:v20+s17+$0x0] =	vst.idx.add.f32.msk $0xffff, v19  }
.LBB2_8:
0xed: {  	s0 =	sor.u32 s26, s30  }
0xee: {  	[tilespmem:v18+s17+$0x0] =	vst.idx.add.f32.msk $0xffff, v17;
	s25 =	sadd.s32 $0x10, s25;
	s2 =	smov.u32 s30;
	s29 =	sadd.s32 $0x10, s30  }
0xef: {  	s31 =	sand.u32 $0x1C00, s26;
	s2 =	sand.u32 $0x70, s2;
	v17 =	vld [tilespmem:s25+$0x0];
	s0 =	sor.u32 $0x380, s0  }
0xf0: {  	p0 =	sne.s32 s30, $0x3F0;
	s2 =	sor.u32 s2, s31;
	v18 =	vld [tilespmem:s0+$0x4800]  }
0xf1: {  	v19 =	vld [tilespmem:s2+$0x6800]  }
0xf2: {  	v20 =	vld [tilespmem:s2+$0x6880]  }
0xf3: {  	v21 =	vld [tilespmem:s2+$0x6B80]  }
0xf4: {  	v22 =	vld [tilespmem:s2+$0x6900]  }
0xf5: {  	v23 =	vld [tilespmem:s2+$0x6980]  }
0xf6: {  	v24 =	vld [tilespmem:s2+$0x6A00]  }
0xf7: {  	v25 =	vld [tilespmem:s2+$0x6A80]  }
0xf8: {  	v26 =	vld [tilespmem:s2+$0x6B00]  }
0xf9: {  	v27 =	vld [tilespmem:s28+$0x0]  }
0xfa: {  	v29 =	vshll.u32 v17, $0x3;
	v28 =	vld [tilespmem:s2+$0x4800]  }
0xfb: {  	v17 =	vand.u32 $0x7F, v17;
	v29 =	vand.u32 $0xFFFFFC00, v29;
	v30 =	vld [tilespmem:s2+$0x4880]  }
0xfc: {  	v29 =	vor.u32 v17, v29;
	v31 =	vld [tilespmem:s2+$0x4900]  }
0xfd: {  	v32 =	vor.u32 $0x80, v29;
	v17 =	vld [tilespmem:s2+$0x4980]  }
0xfe: {  	v34 =	vor.u32 $0x100, v29;
	v33 =	vld [tilespmem:s2+$0x4A00];
	v18 =	vmul.f32 v18, v27;
	v19 =	vmul.f32 v19, v27  }
0xff: {  	v36 =	vor.u32 $0x180, v29;
	v20 =	vmul.f32 v20, v27;
	v28 =	vmul.f32 v28, v27;
	v35 =	vld [tilespmem:s2+$0x4A80]  }
0x100: {  	v38 =	vor.u32 $0x200, v29;
	v22 =	vmul.f32 v22, v27;
	v30 =	vmul.f32 v30, v27;
	v37 =	vld [tilespmem:s2+$0x4B00]  }
0x101: {  	v23 =	vmul.f32 v23, v27;
	v31 =	vmul.f32 v31, v27;
	[tilespmem:v29+s17+$0x0] =	vst.idx.add.f32.msk $0xffff, v28;
	v28 =	vor.u32 $0x280, v29  }
0x102: {  	v24 =	vmul.f32 v24, v27;
	v17 =	vmul.f32 v17, v27;
	[tilespmem:v32+s17+$0x0] =	vst.idx.add.f32.msk $0xffff, v30;
	v30 =	vor.u32 $0x300, v29  }
0x103: {  	v25 =	vmul.f32 v25, v27;
	v32 =	vmul.f32 v33, v27;
	[tilespmem:v34+s17+$0x0] =	vst.idx.add.f32.msk $0xffff, v31;
	v31 =	vor.u32 $0x380, v29  }
0x104: {  	v26 =	vmul.f32 v26, v27;
	v34 =	vadd.s32 $0x2000, v29;
	v33 =	vmul.f32 v35, v27;
	[tilespmem:v36+s17+$0x0] =	vst.idx.add.f32.msk $0xffff, v17  }
0x105: {  	v17 =	vmul.f32 v21, v27;
	v21 =	vadd.s32 $0x2080, v29;
	v35 =	vmul.f32 v37, v27;
	[tilespmem:v38+s17+$0x0] =	vst.idx.add.f32.msk $0xffff, v32  }
0x106: {  	v27 =	vadd.s32 $0x2100, v29;
	[tilespmem:v28+s17+$0x0] =	vst.idx.add.f32.msk $0xffff, v33  }
0x107: {  	v28 =	vadd.s32 $0x2180, v29;
	[tilespmem:v30+s17+$0x0] =	vst.idx.add.f32.msk $0xffff, v35  }
0x108: {  	v30 =	vadd.s32 $0x2200, v29;
	[tilespmem:v31+s17+$0x0] =	vst.idx.add.f32.msk $0xffff, v18  }
0x109: {  	[tilespmem:v34+s17+$0x0] =	vst.idx.add.f32.msk $0xffff, v19;
	v19 =	vadd.s32 $0x2280, v29  }
0x10a: {  	[tilespmem:v21+s17+$0x0] =	vst.idx.add.f32.msk $0xffff, v20;
	v20 =	vadd.s32 $0x2300, v29  }
.Ltmp3:
0x10b: {  	v18 =	vadd.s32 $0x2380, v29;
	[tilespmem:v27+s17+$0x0] =	vst.idx.add.f32.msk $0xffff, v22;
	(pc) =	sbr.rel @p0 .LBB2_8-.Ltmp3, $4  }
0x10c: {  	[tilespmem:v28+s17+$0x0] =	vst.idx.add.f32.msk $0xffff, v23  }
0x10d: {  	[tilespmem:v30+s17+$0x0] =	vst.idx.add.f32.msk $0xffff, v24  }
0x10e: {  	[tilespmem:v19+s17+$0x0] =	vst.idx.add.f32.msk $0xffff, v25  }
0x10f: {  	s26 =	sadd.s32 $0x80, s26;
	s30 =	smov.u32 s29;
	s28 =	sadd.s32 $0x10, s28;
	[tilespmem:v20+s17+$0x0] =	vst.idx.add.f32.msk $0xffff, v26  }
0x110: {  	_ =	sdelay $0x3  }
0x111: {  	[tilespmem:v18+s17+$0x0] =	vst.idx.add.f32.msk $0xffff, v17;
	s25 =	simm.s32 $0x0  }
0x112: {  	[hbm4b:s9+s25] =	stream.linear.scatter [tilespmem:s17], [sflag:$0x4], $0x4000, $0x38;
	[tilespmem:$0x10800] =	vst v63  }
0x113: {  	_ = 	snop  }
0x114: {  	[tilespmem:s19], [sflag:$0x2] =	stream.linear.gather [hbm4b:s10+s25], $0x4000, $0x38;
	[tilespmem:$0x10800] =	vst v63  }
0x115: {  	_ =	swait.ge [sflag:s20], $0x4000  }
0x116: {  	[sflag:s20] =	ssyncset.done $0x0  }
0x117: {  	[sflag:s20] =	ssyncadd.s32 $0xFFFFC000  }
0x118: {  	_ =	swait.ge [sflag:s22], $0x4000  }
0x119: {  	s0 =	sand.u32 $0x70, s25;
	s2 =	sand.u32 $0x1C00, s25;
	[sflag:s22] =	ssyncset.done $0x0  }
0x11a: {  	s26 =	sor.u32 s0, s2;
	[sflag:s22] =	ssyncadd.s32 $0xFFFFC000  }
0x11b: {  	[tilespmem:s26+$0x8880] =	vst v0  }
0x11c: {  	[tilespmem:s26+$0x8900] =	vst v0  }
0x11d: {  	[tilespmem:s26+$0x8980] =	vst v0  }
0x11e: {  	[tilespmem:s26+$0x8A00] =	vst v0  }
0x11f: {  	[tilespmem:s26+$0x8A80] =	vst v0  }
0x120: {  	s28 =	simm.s32 $0x10;
	s29 =	sor.u32 s25, s25;
	[tilespmem:s26+$0x8B00] =	vst v0  }
.LBB2_10:
0x121: {  	p0 =	sne.s32 s28, $0x3E0;
	[tilespmem:s26+$0x8800] =	vst v0;
	s0 =	sor.u32 $0x380, s29  }
0x122: {  	[tilespmem:s0+$0x8800] =	vst v0  }
0x123: {  	[tilespmem:s26+$0xA800] =	vst v0  }
0x124: {  	[tilespmem:s26+$0xA880] =	vst v0  }
0x125: {  	[tilespmem:s26+$0xA900] =	vst v0  }
0x126: {  	[tilespmem:s26+$0xA980] =	vst v0  }
0x127: {  	[tilespmem:s26+$0xAA00] =	vst v0  }
0x128: {  	s25 =	sadd.s32 $0x80, s25;
	[tilespmem:s26+$0xAA80] =	vst v0  }
0x129: {  	s0 =	sand.u32 $0x70, s28;
	s2 =	sand.u32 $0x1C00, s25;
	[tilespmem:s26+$0xAB00] =	vst v0  }
0x12a: {  	[tilespmem:s26+$0xAB80] =	vst v0;
	s26 =	sor.u32 s0, s2  }
0x12b: {  	[tilespmem:s26+$0x8880] =	vst v0  }
.Ltmp4:
0x12c: {  	[tilespmem:s26+$0x8900] =	vst v0;
	(pc) =	sbr.rel @p0 .LBB2_10-.Ltmp4, $4  }
0x12d: {  	[tilespmem:s26+$0x8980] =	vst v0  }
0x12e: {  	[tilespmem:s26+$0x8A00] =	vst v0  }
0x12f: {  	[tilespmem:s26+$0x8A80] =	vst v0  }
0x130: {  	s29 =	sor.u32 s25, s28;
	s28 =	sadd.s32 $0x10, s28;
	[tilespmem:s26+$0x8B00] =	vst v0  }
0x131: {  	[tilespmem:s26+$0x8800] =	vst v0;
	s0 =	sor.u32 $0x380, s29  }
0x132: {  	[tilespmem:s0+$0x8800] =	vst v0  }
0x133: {  	[tilespmem:s26+$0xA800] =	vst v0  }
0x134: {  	[tilespmem:s26+$0xA880] =	vst v0  }
0x135: {  	[tilespmem:s26+$0xA900] =	vst v0  }
0x136: {  	[tilespmem:s26+$0xA980] =	vst v0  }
0x137: {  	[tilespmem:s26+$0xAA00] =	vst v0  }
0x138: {  	[tilespmem:s26+$0xAA80] =	vst v0  }
0x139: {  	[tilespmem:s26+$0xAB00] =	vst v0  }
0x13a: {  	[tilespmem:s26+$0xAB80] =	vst v0  }
0x13b: {  	[tilespmem:v1+s16+$0x0] =	vst.idx.msk $0xffff, v0  }
0x13c: {  	[tilespmem:v2+s16+$0x0] =	vst.idx.msk $0xffff, v0  }
0x13d: {  	[tilespmem:v3+s16+$0x0] =	vst.idx.msk $0xffff, v0  }
0x13e: {  	[tilespmem:v4+s16+$0x0] =	vst.idx.msk $0xffff, v0  }
0x13f: {  	[tilespmem:v5+s16+$0x0] =	vst.idx.msk $0xffff, v0  }
0x140: {  	[tilespmem:v6+s16+$0x0] =	vst.idx.msk $0xffff, v0  }
0x141: {  	[tilespmem:v7+s16+$0x0] =	vst.idx.msk $0xffff, v0  }
0x142: {  	[tilespmem:v8+s16+$0x0] =	vst.idx.msk $0xffff, v0  }
0x143: {  	[tilespmem:v9+s16+$0x0] =	vst.idx.msk $0xffff, v0  }
0x144: {  	[tilespmem:v10+s16+$0x0] =	vst.idx.msk $0xffff, v0  }
0x145: {  	[tilespmem:v11+s16+$0x0] =	vst.idx.msk $0xffff, v0  }
0x146: {  	[tilespmem:v12+s16+$0x0] =	vst.idx.msk $0xffff, v0  }
0x147: {  	[tilespmem:v13+s16+$0x0] =	vst.idx.msk $0xffff, v0  }
0x148: {  	[tilespmem:v14+s16+$0x0] =	vst.idx.msk $0xffff, v0  }
0x149: {  	s25 =	simm.s32 $0x0;
	[tilespmem:v15+s16+$0x0] =	vst.idx.msk $0xffff, v0  }
0x14a: {  	s26 =	sor.u32 s25, s25;
	[tilespmem:v16+s16+$0x0] =	vst.idx.msk $0xffff, v0  }
0x14b: {  	s2 =	sand.u32 $0x70, s25;
	s29 =	sand.u32 $0x1C00, s25;
	s0 =	sor.u32 $0x380, s26;
	v17 =	vld [tilespmem:s25+$0x0]  }
0x14c: {  	s2 =	sor.u32 s2, s29;
	v18 =	vld [tilespmem:s0+$0x800]  }
0x14d: {  	v19 =	vld [tilespmem:s2+$0x2800]  }
0x14e: {  	v20 =	vld [tilespmem:s2+$0x2880]  }
0x14f: {  	v21 =	vld [tilespmem:s2+$0x2B80]  }
0x150: {  	v22 =	vld [tilespmem:s2+$0x2900]  }
0x151: {  	v23 =	vld [tilespmem:s2+$0x2980]  }
0x152: {  	v24 =	vld [tilespmem:s2+$0x2A00]  }
0x153: {  	v25 =	vld [tilespmem:s2+$0x2A80]  }
0x154: {  	s31 =	simm.s32 $0x400;
	v26 =	vld [tilespmem:s2+$0x2B00]  }
0x155: {  	v27 =	vld [tilespmem:s31+$0x0]  }
0x156: {  	v28 =	vld [tilespmem:s2+$0x800];
	v29 =	vshll.u32 v17, $0x3  }
0x157: {  	v30 =	vld [tilespmem:s2+$0x880];
	v17 =	vand.u32 $0x7F, v17;
	v29 =	vand.u32 $0xFFFFFC00, v29  }
0x158: {  	v31 =	vld [tilespmem:s2+$0x900];
	v29 =	vor.u32 v17, v29  }
0x159: {  	v17 =	vld [tilespmem:s2+$0x980];
	v32 =	vor.u32 $0x80, v29  }
0x15a: {  	v33 =	vld [tilespmem:s2+$0xA00];
	v34 =	vor.u32 $0x100, v29  }
0x15b: {  	v35 =	vld [tilespmem:s2+$0xA80];
	v28 =	vmul.f32 v28, v27;
	v36 =	vor.u32 $0x180, v29  }
0x15c: {  	v37 =	vld [tilespmem:s2+$0xB00];
	v30 =	vmul.f32 v30, v27;
	v38 =	vor.u32 $0x200, v29  }
0x15d: {  	v31 =	vmul.f32 v31, v27;
	v53 =	vor.u32 $0x280, v29;
	[tilespmem:v29+s16+$0x0] =	vst.idx.add.f32.msk $0xffff, v28  }
0x15e: {  	v54 =	vor.u32 $0x300, v29;
	v17 =	vmul.f32 v17, v27;
	[tilespmem:v32+s16+$0x0] =	vst.idx.add.f32.msk $0xffff, v30  }
0x15f: {  	v55 =	vmul.f32 v33, v27;
	v56 =	vor.u32 $0x380, v29;
	[tilespmem:v34+s16+$0x0] =	vst.idx.add.f32.msk $0xffff, v31  }
0x160: {  	v57 =	vmul.f32 v35, v27;
	[tilespmem:v36+s16+$0x0] =	vst.idx.add.f32.msk $0xffff, v17;
	v17 =	vadd.s32 $0x2000, v29  }
0x161: {  	v58 =	vmul.f32 v37, v27;
	v59 =	vadd.s32 $0x2080, v29;
	[tilespmem:v38+s16+$0x0] =	vst.idx.add.f32.msk $0xffff, v55  }
0x162: {  	v18 =	vmul.f32 v18, v27;
	v60 =	vadd.s32 $0x2100, v29;
	[tilespmem:v53+s16+$0x0] =	vst.idx.add.f32.msk $0xffff, v57  }
0x163: {  	v19 =	vmul.f32 v19, v27;
	v61 =	vadd.s32 $0x2180, v29;
	[tilespmem:v54+s16+$0x0] =	vst.idx.add.f32.msk $0xffff, v58  }
0x164: {  	v20 =	vmul.f32 v20, v27;
	[tilespmem:v56+s16+$0x0] =	vst.idx.add.f32.msk $0xffff, v18;
	v18 =	vadd.s32 $0x2200, v29  }
0x165: {  	v22 =	vmul.f32 v22, v27;
	[tilespmem:v17+s16+$0x0] =	vst.idx.add.f32.msk $0xffff, v19  }
0x166: {  	v17 =	vadd.s32 $0x2280, v29;
	v19 =	vmul.f32 v23, v27;
	[tilespmem:v59+s16+$0x0] =	vst.idx.add.f32.msk $0xffff, v20  }
0x167: {  	v62 =	vmul.f32 v24, v27;
	v20 =	vadd.s32 $0x2300, v29;
	[tilespmem:v60+s16+$0x0] =	vst.idx.add.f32.msk $0xffff, v22  }
0x168: {  	[tilespmem:v61+s16+$0x0] =	vst.idx.add.f32.msk $0xffff, v19  }
0x169: {  	v63 =	vmul.f32 v25, v27;
	[tilespmem:v18+s16+$0x0] =	vst.idx.add.f32.msk $0xffff, v62;
	v18 =	vadd.s32 $0x2380, v29  }
0x16a: {  	v19 =	vmul.f32 v26, v27  }
0x16b: {  	[tilespmem:v17+s16+$0x0] =	vst.idx.add.f32.msk $0xffff, v63  }
0x16c: {  	s30 =	simm.s32 $0x10;
	s28 =	simm.s32 $0x410;
	s26 =	simm.s32 $0x80;
	v17 =	vmul.f32 v21, v27;
	[tilespmem:v20+s16+$0x0] =	vst.idx.add.f32.msk $0xffff, v19  }
.LBB2_12:
0x16d: {  	s0 =	sor.u32 s26, s30  }
0x16e: {  	[tilespmem:v18+s16+$0x0] =	vst.idx.add.f32.msk $0xffff, v17;
	s25 =	sadd.s32 $0x10, s25;
	s2 =	smov.u32 s30;
	s29 =	sadd.s32 $0x10, s30  }
0x16f: {  	s31 =	sand.u32 $0x1C00, s26;
	s2 =	sand.u32 $0x70, s2;
	v17 =	vld [tilespmem:s25+$0x0];
	s0 =	sor.u32 $0x380, s0  }
0x170: {  	p0 =	sne.s32 s30, $0x3F0;
	s2 =	sor.u32 s2, s31;
	v18 =	vld [tilespmem:s0+$0x800]  }
0x171: {  	v19 =	vld [tilespmem:s2+$0x2800]  }
0x172: {  	v20 =	vld [tilespmem:s2+$0x2880]  }
0x173: {  	v21 =	vld [tilespmem:s2+$0x2B80]  }
0x174: {  	v22 =	vld [tilespmem:s2+$0x2900]  }
0x175: {  	v23 =	vld [tilespmem:s2+$0x2980]  }
0x176: {  	v24 =	vld [tilespmem:s2+$0x2A00]  }
0x177: {  	v25 =	vld [tilespmem:s2+$0x2A80]  }
0x178: {  	v26 =	vld [tilespmem:s2+$0x2B00]  }
0x179: {  	v27 =	vld [tilespmem:s28+$0x0]  }
0x17a: {  	v29 =	vshll.u32 v17, $0x3;
	v28 =	vld [tilespmem:s2+$0x800]  }
0x17b: {  	v17 =	vand.u32 $0x7F, v17;
	v29 =	vand.u32 $0xFFFFFC00, v29;
	v30 =	vld [tilespmem:s2+$0x880]  }
0x17c: {  	v29 =	vor.u32 v17, v29;
	v31 =	vld [tilespmem:s2+$0x900]  }
0x17d: {  	v32 =	vor.u32 $0x80, v29;
	v17 =	vld [tilespmem:s2+$0x980]  }
0x17e: {  	v34 =	vor.u32 $0x100, v29;
	v33 =	vld [tilespmem:s2+$0xA00];
	v18 =	vmul.f32 v18, v27;
	v19 =	vmul.f32 v19, v27  }
0x17f: {  	v36 =	vor.u32 $0x180, v29;
	v20 =	vmul.f32 v20, v27;
	v28 =	vmul.f32 v28, v27;
	v35 =	vld [tilespmem:s2+$0xA80]  }
0x180: {  	v38 =	vor.u32 $0x200, v29;
	v22 =	vmul.f32 v22, v27;
	v30 =	vmul.f32 v30, v27;
	v37 =	vld [tilespmem:s2+$0xB00]  }
0x181: {  	v23 =	vmul.f32 v23, v27;
	v31 =	vmul.f32 v31, v27;
	[tilespmem:v29+s16+$0x0] =	vst.idx.add.f32.msk $0xffff, v28;
	v28 =	vor.u32 $0x280, v29  }
0x182: {  	v24 =	vmul.f32 v24, v27;
	v17 =	vmul.f32 v17, v27;
	[tilespmem:v32+s16+$0x0] =	vst.idx.add.f32.msk $0xffff, v30;
	v30 =	vor.u32 $0x300, v29  }
0x183: {  	v25 =	vmul.f32 v25, v27;
	v32 =	vmul.f32 v33, v27;
	[tilespmem:v34+s16+$0x0] =	vst.idx.add.f32.msk $0xffff, v31;
	v31 =	vor.u32 $0x380, v29  }
0x184: {  	v26 =	vmul.f32 v26, v27;
	v34 =	vadd.s32 $0x2000, v29;
	v33 =	vmul.f32 v35, v27;
	[tilespmem:v36+s16+$0x0] =	vst.idx.add.f32.msk $0xffff, v17  }
0x185: {  	v17 =	vmul.f32 v21, v27;
	v21 =	vadd.s32 $0x2080, v29;
	v35 =	vmul.f32 v37, v27;
	[tilespmem:v38+s16+$0x0] =	vst.idx.add.f32.msk $0xffff, v32  }
0x186: {  	v27 =	vadd.s32 $0x2100, v29;
	[tilespmem:v28+s16+$0x0] =	vst.idx.add.f32.msk $0xffff, v33  }
0x187: {  	v28 =	vadd.s32 $0x2180, v29;
	[tilespmem:v30+s16+$0x0] =	vst.idx.add.f32.msk $0xffff, v35  }
0x188: {  	v30 =	vadd.s32 $0x2200, v29;
	[tilespmem:v31+s16+$0x0] =	vst.idx.add.f32.msk $0xffff, v18  }
0x189: {  	[tilespmem:v34+s16+$0x0] =	vst.idx.add.f32.msk $0xffff, v19;
	v19 =	vadd.s32 $0x2280, v29  }
0x18a: {  	[tilespmem:v21+s16+$0x0] =	vst.idx.add.f32.msk $0xffff, v20;
	v20 =	vadd.s32 $0x2300, v29  }
.Ltmp5:
0x18b: {  	v18 =	vadd.s32 $0x2380, v29;
	[tilespmem:v27+s16+$0x0] =	vst.idx.add.f32.msk $0xffff, v22;
	(pc) =	sbr.rel @p0 .LBB2_12-.Ltmp5, $4  }
0x18c: {  	[tilespmem:v28+s16+$0x0] =	vst.idx.add.f32.msk $0xffff, v23  }
0x18d: {  	[tilespmem:v30+s16+$0x0] =	vst.idx.add.f32.msk $0xffff, v24  }
0x18e: {  	[tilespmem:v19+s16+$0x0] =	vst.idx.add.f32.msk $0xffff, v25  }
0x18f: {  	s26 =	sadd.s32 $0x80, s26;
	s30 =	smov.u32 s29;
	s28 =	sadd.s32 $0x10, s28;
	[tilespmem:v20+s16+$0x0] =	vst.idx.add.f32.msk $0xffff, v26  }
0x190: {  	_ =	sdelay $0x3  }
0x191: {  	[tilespmem:v18+s16+$0x0] =	vst.idx.add.f32.msk $0xffff, v17;
	s26 =	simm.s32 $0x0  }
0x192: {  	[hbm4b:s11+s26] =	stream.linear.scatter [tilespmem:s16], [sflag:$0x3], $0x4000, $0x38;
	[tilespmem:$0x10800] =	vst v63  }
0x193: {  	_ =	swait.ge [sflag:s21], $0x4000  }
0x194: {  	[sflag:s21] =	ssyncset.done $0x0  }
0x195: {  	[sflag:s21] =	ssyncadd.s32 $0xFFFFC000  }
0x196: {  	_ =	swait.ge [sflag:s23], $0x4000  }
0x197: {  	s0 =	sand.u32 $0x70, s26;
	s2 =	sand.u32 $0x1C00, s26;
	[sflag:s23] =	ssyncset.done $0x0  }
0x198: {  	s25 =	sor.u32 s0, s2;
	[sflag:s23] =	ssyncadd.s32 $0xFFFFC000  }
0x199: {  	[tilespmem:s25+$0xC880] =	vst v0  }
0x19a: {  	[tilespmem:s25+$0xC900] =	vst v0  }
0x19b: {  	[tilespmem:s25+$0xC980] =	vst v0  }
0x19c: {  	[tilespmem:s25+$0xCA00] =	vst v0  }
0x19d: {  	[tilespmem:s25+$0xCA80] =	vst v0  }
0x19e: {  	s28 =	simm.s32 $0x10;
	s29 =	sor.u32 s26, s26;
	[tilespmem:s25+$0xCB00] =	vst v0  }
.LBB2_14:
0x19f: {  	p0 =	sne.s32 s28, $0x3E0;
	[tilespmem:s25+$0xC800] =	vst v0;
	s0 =	sor.u32 $0x380, s29  }
0x1a0: {  	[tilespmem:s0+$0xC800] =	vst v0  }
0x1a1: {  	[tilespmem:s25+$0xE800] =	vst v0  }
0x1a2: {  	[tilespmem:s25+$0xE880] =	vst v0  }
0x1a3: {  	[tilespmem:s25+$0xE900] =	vst v0  }
0x1a4: {  	[tilespmem:s25+$0xE980] =	vst v0  }
0x1a5: {  	[tilespmem:s25+$0xEA00] =	vst v0  }
0x1a6: {  	s26 =	sadd.s32 $0x80, s26;
	[tilespmem:s25+$0xEA80] =	vst v0  }
0x1a7: {  	s0 =	sand.u32 $0x70, s28;
	s2 =	sand.u32 $0x1C00, s26;
	[tilespmem:s25+$0xEB00] =	vst v0  }
0x1a8: {  	[tilespmem:s25+$0xEB80] =	vst v0;
	s25 =	sor.u32 s0, s2  }
0x1a9: {  	[tilespmem:s25+$0xC880] =	vst v0  }
.Ltmp6:
0x1aa: {  	[tilespmem:s25+$0xC900] =	vst v0;
	(pc) =	sbr.rel @p0 .LBB2_14-.Ltmp6, $4  }
0x1ab: {  	[tilespmem:s25+$0xC980] =	vst v0  }
0x1ac: {  	[tilespmem:s25+$0xCA00] =	vst v0  }
0x1ad: {  	[tilespmem:s25+$0xCA80] =	vst v0  }
0x1ae: {  	s29 =	sor.u32 s26, s28;
	s28 =	sadd.s32 $0x10, s28;
	[tilespmem:s25+$0xCB00] =	vst v0  }
0x1af: {  	[tilespmem:s25+$0xC800] =	vst v0;
	s0 =	sor.u32 $0x380, s29  }
0x1b0: {  	[tilespmem:s0+$0xC800] =	vst v0  }
0x1b1: {  	[tilespmem:s25+$0xE800] =	vst v0  }
0x1b2: {  	[tilespmem:s25+$0xE880] =	vst v0  }
0x1b3: {  	[tilespmem:s25+$0xE900] =	vst v0  }
0x1b4: {  	[tilespmem:s25+$0xE980] =	vst v0  }
0x1b5: {  	[tilespmem:s25+$0xEA00] =	vst v0  }
0x1b6: {  	[tilespmem:s25+$0xEA80] =	vst v0  }
0x1b7: {  	[tilespmem:s25+$0xEB00] =	vst v0  }
0x1b8: {  	[tilespmem:s25+$0xEB80] =	vst v0  }
0x1b9: {  	[tilespmem:v1+s17+$0x0] =	vst.idx.msk $0xffff, v0  }
0x1ba: {  	[tilespmem:v2+s17+$0x0] =	vst.idx.msk $0xffff, v0  }
0x1bb: {  	[tilespmem:v3+s17+$0x0] =	vst.idx.msk $0xffff, v0  }
0x1bc: {  	[tilespmem:v4+s17+$0x0] =	vst.idx.msk $0xffff, v0  }
0x1bd: {  	[tilespmem:v5+s17+$0x0] =	vst.idx.msk $0xffff, v0  }
0x1be: {  	[tilespmem:v6+s17+$0x0] =	vst.idx.msk $0xffff, v0  }
0x1bf: {  	[tilespmem:v7+s17+$0x0] =	vst.idx.msk $0xffff, v0  }
0x1c0: {  	[tilespmem:v8+s17+$0x0] =	vst.idx.msk $0xffff, v0  }
0x1c1: {  	[tilespmem:v9+s17+$0x0] =	vst.idx.msk $0xffff, v0  }
0x1c2: {  	[tilespmem:v10+s17+$0x0] =	vst.idx.msk $0xffff, v0  }
0x1c3: {  	[tilespmem:v11+s17+$0x0] =	vst.idx.msk $0xffff, v0  }
0x1c4: {  	[tilespmem:v12+s17+$0x0] =	vst.idx.msk $0xffff, v0  }
0x1c5: {  	[tilespmem:v13+s17+$0x0] =	vst.idx.msk $0xffff, v0  }
0x1c6: {  	[tilespmem:v14+s17+$0x0] =	vst.idx.msk $0xffff, v0  }
0x1c7: {  	s25 =	simm.s32 $0x0;
	[tilespmem:v15+s17+$0x0] =	vst.idx.msk $0xffff, v0  }
0x1c8: {  	s29 =	sor.u32 s25, s25;
	[tilespmem:v16+s17+$0x0] =	vst.idx.msk $0xffff, v0  }
0x1c9: {  	s2 =	sand.u32 $0x70, s25;
	s26 =	sand.u32 $0x1C00, s25;
	s0 =	sor.u32 $0x380, s29;
	v17 =	vld [tilespmem:s25+$0x0]  }
0x1ca: {  	s2 =	sor.u32 s2, s26;
	v18 =	vld [tilespmem:s0+$0x4800]  }
0x1cb: {  	v19 =	vld [tilespmem:s2+$0x6800]  }
0x1cc: {  	v20 =	vld [tilespmem:s2+$0x6880]  }
0x1cd: {  	v21 =	vld [tilespmem:s2+$0x6B80]  }
0x1ce: {  	v22 =	vld [tilespmem:s2+$0x6900]  }
0x1cf: {  	v23 =	vld [tilespmem:s2+$0x6980]  }
0x1d0: {  	v24 =	vld [tilespmem:s2+$0x6A00]  }
0x1d1: {  	v25 =	vld [tilespmem:s2+$0x6A80]  }
0x1d2: {  	s31 =	simm.s32 $0x400;
	v26 =	vld [tilespmem:s2+$0x6B00]  }
0x1d3: {  	v27 =	vld [tilespmem:s31+$0x0]  }
0x1d4: {  	v28 =	vld [tilespmem:s2+$0x4800];
	v29 =	vshll.u32 v17, $0x3  }
0x1d5: {  	v30 =	vld [tilespmem:s2+$0x4880];
	v17 =	vand.u32 $0x7F, v17;
	v29 =	vand.u32 $0xFFFFFC00, v29  }
0x1d6: {  	v31 =	vld [tilespmem:s2+$0x4900];
	v29 =	vor.u32 v17, v29  }
0x1d7: {  	v17 =	vld [tilespmem:s2+$0x4980];
	v32 =	vor.u32 $0x80, v29  }
0x1d8: {  	v33 =	vld [tilespmem:s2+$0x4A00];
	v34 =	vor.u32 $0x100, v29  }
0x1d9: {  	v35 =	vld [tilespmem:s2+$0x4A80];
	v28 =	vmul.f32 v28, v27;
	v36 =	vor.u32 $0x180, v29  }
0x1da: {  	v37 =	vld [tilespmem:s2+$0x4B00];
	v30 =	vmul.f32 v30, v27;
	v38 =	vor.u32 $0x200, v29  }
0x1db: {  	v31 =	vmul.f32 v31, v27;
	v53 =	vor.u32 $0x280, v29;
	[tilespmem:v29+s17+$0x0] =	vst.idx.add.f32.msk $0xffff, v28  }
0x1dc: {  	v54 =	vor.u32 $0x300, v29;
	v17 =	vmul.f32 v17, v27;
	[tilespmem:v32+s17+$0x0] =	vst.idx.add.f32.msk $0xffff, v30  }
0x1dd: {  	v55 =	vmul.f32 v33, v27;
	v56 =	vor.u32 $0x380, v29;
	[tilespmem:v34+s17+$0x0] =	vst.idx.add.f32.msk $0xffff, v31  }
0x1de: {  	v57 =	vmul.f32 v35, v27;
	[tilespmem:v36+s17+$0x0] =	vst.idx.add.f32.msk $0xffff, v17;
	v17 =	vadd.s32 $0x2000, v29  }
0x1df: {  	v58 =	vmul.f32 v37, v27;
	v59 =	vadd.s32 $0x2080, v29;
	[tilespmem:v38+s17+$0x0] =	vst.idx.add.f32.msk $0xffff, v55  }
0x1e0: {  	v18 =	vmul.f32 v18, v27;
	v60 =	vadd.s32 $0x2100, v29;
	[tilespmem:v53+s17+$0x0] =	vst.idx.add.f32.msk $0xffff, v57  }
0x1e1: {  	v19 =	vmul.f32 v19, v27;
	v61 =	vadd.s32 $0x2180, v29;
	[tilespmem:v54+s17+$0x0] =	vst.idx.add.f32.msk $0xffff, v58  }
0x1e2: {  	v20 =	vmul.f32 v20, v27;
	[tilespmem:v56+s17+$0x0] =	vst.idx.add.f32.msk $0xffff, v18;
	v18 =	vadd.s32 $0x2200, v29  }
0x1e3: {  	v22 =	vmul.f32 v22, v27;
	[tilespmem:v17+s17+$0x0] =	vst.idx.add.f32.msk $0xffff, v19  }
0x1e4: {  	v17 =	vadd.s32 $0x2280, v29;
	v19 =	vmul.f32 v23, v27;
	[tilespmem:v59+s17+$0x0] =	vst.idx.add.f32.msk $0xffff, v20  }
0x1e5: {  	v62 =	vmul.f32 v24, v27;
	v20 =	vadd.s32 $0x2300, v29;
	[tilespmem:v60+s17+$0x0] =	vst.idx.add.f32.msk $0xffff, v22  }
0x1e6: {  	[tilespmem:v61+s17+$0x0] =	vst.idx.add.f32.msk $0xffff, v19  }
0x1e7: {  	v63 =	vmul.f32 v25, v27;
	[tilespmem:v18+s17+$0x0] =	vst.idx.add.f32.msk $0xffff, v62;
	v18 =	vadd.s32 $0x2380, v29  }
0x1e8: {  	v19 =	vmul.f32 v26, v27  }
0x1e9: {  	[tilespmem:v17+s17+$0x0] =	vst.idx.add.f32.msk $0xffff, v63  }
0x1ea: {  	s30 =	simm.s32 $0x10;
	s28 =	simm.s32 $0x410;
	s26 =	simm.s32 $0x80;
	v17 =	vmul.f32 v21, v27;
	[tilespmem:v20+s17+$0x0] =	vst.idx.add.f32.msk $0xffff, v19  }
.LBB2_16:
0x1eb: {  	s0 =	sor.u32 s26, s30  }
0x1ec: {  	[tilespmem:v18+s17+$0x0] =	vst.idx.add.f32.msk $0xffff, v17;
	s25 =	sadd.s32 $0x10, s25;
	s2 =	smov.u32 s30;
	s29 =	sadd.s32 $0x10, s30  }
0x1ed: {  	s31 =	sand.u32 $0x1C00, s26;
	s2 =	sand.u32 $0x70, s2;
	v17 =	vld [tilespmem:s25+$0x0];
	s0 =	sor.u32 $0x380, s0  }
0x1ee: {  	p0 =	sne.s32 s30, $0x3F0;
	s2 =	sor.u32 s2, s31;
	v18 =	vld [tilespmem:s0+$0x4800]  }
0x1ef: {  	v19 =	vld [tilespmem:s2+$0x6800]  }
0x1f0: {  	v20 =	vld [tilespmem:s2+$0x6880]  }
0x1f1: {  	v21 =	vld [tilespmem:s2+$0x6B80]  }
0x1f2: {  	v22 =	vld [tilespmem:s2+$0x6900]  }
0x1f3: {  	v23 =	vld [tilespmem:s2+$0x6980]  }
0x1f4: {  	v24 =	vld [tilespmem:s2+$0x6A00]  }
0x1f5: {  	v25 =	vld [tilespmem:s2+$0x6A80]  }
0x1f6: {  	v26 =	vld [tilespmem:s2+$0x6B00]  }
0x1f7: {  	v27 =	vld [tilespmem:s28+$0x0]  }
0x1f8: {  	v29 =	vshll.u32 v17, $0x3;
	v28 =	vld [tilespmem:s2+$0x4800]  }
0x1f9: {  	v17 =	vand.u32 $0x7F, v17;
	v29 =	vand.u32 $0xFFFFFC00, v29;
	v30 =	vld [tilespmem:s2+$0x4880]  }
0x1fa: {  	v29 =	vor.u32 v17, v29;
	v31 =	vld [tilespmem:s2+$0x4900]  }
0x1fb: {  	v32 =	vor.u32 $0x80, v29;
	v17 =	vld [tilespmem:s2+$0x4980]  }
0x1fc: {  	v34 =	vor.u32 $0x100, v29;
	v33 =	vld [tilespmem:s2+$0x4A00];
	v18 =	vmul.f32 v18, v27;
	v19 =	vmul.f32 v19, v27  }
0x1fd: {  	v36 =	vor.u32 $0x180, v29;
	v20 =	vmul.f32 v20, v27;
	v28 =	vmul.f32 v28, v27;
	v35 =	vld [tilespmem:s2+$0x4A80]  }
0x1fe: {  	v38 =	vor.u32 $0x200, v29;
	v22 =	vmul.f32 v22, v27;
	v30 =	vmul.f32 v30, v27;
	v37 =	vld [tilespmem:s2+$0x4B00]  }
0x1ff: {  	v23 =	vmul.f32 v23, v27;
	v31 =	vmul.f32 v31, v27;
	[tilespmem:v29+s17+$0x0] =	vst.idx.add.f32.msk $0xffff, v28;
	v28 =	vor.u32 $0x280, v29  }
0x200: {  	v24 =	vmul.f32 v24, v27;
	v17 =	vmul.f32 v17, v27;
	[tilespmem:v32+s17+$0x0] =	vst.idx.add.f32.msk $0xffff, v30;
	v30 =	vor.u32 $0x300, v29  }
0x201: {  	v25 =	vmul.f32 v25, v27;
	v32 =	vmul.f32 v33, v27;
	[tilespmem:v34+s17+$0x0] =	vst.idx.add.f32.msk $0xffff, v31;
	v31 =	vor.u32 $0x380, v29  }
0x202: {  	v26 =	vmul.f32 v26, v27;
	v34 =	vadd.s32 $0x2000, v29;
	v33 =	vmul.f32 v35, v27;
	[tilespmem:v36+s17+$0x0] =	vst.idx.add.f32.msk $0xffff, v17  }
0x203: {  	v17 =	vmul.f32 v21, v27;
	v21 =	vadd.s32 $0x2080, v29;
	v35 =	vmul.f32 v37, v27;
	[tilespmem:v38+s17+$0x0] =	vst.idx.add.f32.msk $0xffff, v32  }
0x204: {  	v27 =	vadd.s32 $0x2100, v29;
	[tilespmem:v28+s17+$0x0] =	vst.idx.add.f32.msk $0xffff, v33  }
0x205: {  	v28 =	vadd.s32 $0x2180, v29;
	[tilespmem:v30+s17+$0x0] =	vst.idx.add.f32.msk $0xffff, v35  }
0x206: {  	v30 =	vadd.s32 $0x2200, v29;
	[tilespmem:v31+s17+$0x0] =	vst.idx.add.f32.msk $0xffff, v18  }
0x207: {  	[tilespmem:v34+s17+$0x0] =	vst.idx.add.f32.msk $0xffff, v19;
	v19 =	vadd.s32 $0x2280, v29  }
0x208: {  	[tilespmem:v21+s17+$0x0] =	vst.idx.add.f32.msk $0xffff, v20;
	v20 =	vadd.s32 $0x2300, v29  }
.Ltmp7:
0x209: {  	v18 =	vadd.s32 $0x2380, v29;
	[tilespmem:v27+s17+$0x0] =	vst.idx.add.f32.msk $0xffff, v22;
	(pc) =	sbr.rel @p0 .LBB2_16-.Ltmp7, $4  }
0x20a: {  	[tilespmem:v28+s17+$0x0] =	vst.idx.add.f32.msk $0xffff, v23  }
0x20b: {  	[tilespmem:v30+s17+$0x0] =	vst.idx.add.f32.msk $0xffff, v24  }
0x20c: {  	[tilespmem:v19+s17+$0x0] =	vst.idx.add.f32.msk $0xffff, v25  }
0x20d: {  	s26 =	sadd.s32 $0x80, s26;
	s30 =	smov.u32 s29;
	s28 =	sadd.s32 $0x10, s28;
	[tilespmem:v20+s17+$0x0] =	vst.idx.add.f32.msk $0xffff, v26  }
0x20e: {  	_ =	sdelay $0x3  }
0x20f: {  	[tilespmem:v18+s17+$0x0] =	vst.idx.add.f32.msk $0xffff, v17;
	s24 =	sadd.s32 $0x1, s24  }
0x210: {  	[hbm4b:s12+s1] =	stream.linear.scatter [tilespmem:s17], [sflag:$0x4], $0x4000, $0x38;
	[tilespmem:$0x10800] =	vst v63  }
0x211: {  	p0 =	sne.s32 s24, s13;
	_ =	swait.ge [sflag:s22], $0x4000  }
.Ltmp8:
0x212: {  	[sflag:s22] =	ssyncset.done $0x0;
	(pc) =	sbr.rel @p0 .LBB2_1-.Ltmp8, $4  }
0x213: {  	[sflag:s22] =	ssyncadd.s32 $0xFFFFC000  }
0x214: {  	_ =	swait.ge [sflag:s23], $0x4000  }
0x215: {  	[sflag:s23] =	ssyncset.done $0x0  }
0x216: {  	[sflag:s23] =	ssyncadd.s32 $0xFFFFC000  }
0x217: {  	_ =	sfence.sel $0x180000  }
0x218: {  	[bflag:$0x0] =	sbarrier.arrive $0xFFFF  }
0x219: {  	_ =	strace $0x90000047  }
0x21a: {  	s0 =	stileid.u32;
	[bflag:$0x2] =	sbarrier.arrive $0xFFFF  }
0x21b: {  	p0 =	sne.s32 s0, $0x0;
	s0 =	rddreg [dreg:$0x3]  }
0x21c: {  	s0 =	sadd.s32 @!p0 $0x100000, s0  }
0x21d: {  	[sflag:s0] =	ssyncadd.tile.s32 @!p0 $0x1;
	_ =	shalt  }
.Lfunc_end2:
_tile_overlayer_lowered:
.L_overlay_start_2:
0x21e: {  	(tag) =	ssettag $0x2  }
0x21f: {  	s0 =	rddreg [dreg:$0x0];
	s2 =	stileid.u32  }
0x220: {  	s1 =	rddreg [dreg:$0x1];
	p0 =	sne.s32 s2, $0x0  }
0x221: {  	s3 =	rddreg [dreg:$0x2];
	[bflag:$0x3] =	sbarrier.arrive $0xFFFF;
	s2 =	simm.s32 @!p0 $0x1C05  }
0x222: {  	[timem:s3], [sflag:s2] =	dma.local @!p0 [hbm:s0], s1  }
0x223: {  	s0 =	simm.s32 @!p0 $0x5  }
0x224: {  	_ =	swait.ge @!p0 [sflag:s0], s1  }
0x225: {  	s1 =	ssub.s32 @!p0 $0x0, s1;
	[sflag:s0] =	ssyncset.done @!p0 $0x0  }
0x226: {  	[sflag:s0] =	ssyncadd.s32 @!p0 s1  }
0x227: {  	[bflag:$0x3] =	sbarrier.arrive $0xFFFF  }
0x228: {  	_ =	shalt  }

</sc_bundles>
